<compile_context>
chip_gen: v7x
topology: tpu7x:2x2x1
jax: 0.10.2.dev20260603
libtpu: 0.0.44.dev20260713+nightly
codegen_flags: <defaults>
</compile_context>

<pallas_src>
import jax
import jax.numpy as jnp
from jax import lax
from jax.experimental import pallas as pl
from jax.experimental.pallas import tpu as pltpu
from jax.experimental.pallas import tpu_sc as plsc

_M = 4
_LANES = 16
_NWORKERS = 32
_ROWS = 8
_WIN = _M * _LANES
_NBUF = 3


def _sc_body(
    x_hbm, o_hbm, in0, in1, in2, out0, out1, out2, si0, si1, si2, so0, so1, so2
):
    n, d = x_hbm.shape
    chunk = _ROWS * d
    rows_per_w = n // _NWORKERS
    n_chunks = rows_per_w // _ROWS
    ins = (in0, in1, in2)
    outs = (out0, out1, out2)
    sis = (si0, si1, si2)
    sos = (so0, so1, so2)
    wid = lax.axis_index("s") * 2 + lax.axis_index("c")
    row0 = wid * rows_per_w
    lane4 = lax.iota(jnp.int32, _LANES) * _M
    zero = jnp.zeros((_LANES,), jnp.float32)

    def load(ci, b):
        r = row0 + ci * _ROWS
        pltpu.make_async_copy(x_hbm.at[pl.ds(r, _ROWS)], ins[b], sis[b]).start()

    def store(ci, b):
        r = row0 + ci * _ROWS
        pltpu.make_async_copy(outs[b], o_hbm.at[pl.ds(r, _ROWS)], sos[b]).start()

    def wait_in(b):
        pltpu.make_async_copy(x_hbm.at[pl.ds(row0, _ROWS)], ins[b], sis[b]).wait()

    def wait_out(b):
        pltpu.make_async_copy(outs[b], o_hbm.at[pl.ds(row0, _ROWS)], sos[b]).wait()

    def compute(b):
        src = ins[b]
        dst = outs[b]

        @plsc.parallel_loop(0, chunk, step=_WIN, unroll=4)
        def _(i):
            r = jnp.full((_LANES,), i // d, jnp.int32)
            i0 = lane4 + i % d
            a0 = plsc.load_gather(src, [r, i0])
            a1 = plsc.load_gather(src, [r, i0 + 1])
            a2 = plsc.load_gather(src, [r, i0 + 2])
            a3 = plsc.load_gather(src, [r, i0 + 3])
            b0 = jnp.abs(a0)
            b1 = jnp.abs(a1)
            b2 = jnp.abs(a2)
            b3 = jnp.abs(a3)
            m1 = jnp.maximum(b0, b1)
            n1 = jnp.minimum(b0, b1)
            m2 = jnp.maximum(b2, b3)
            n2 = jnp.minimum(b2, b3)
            second = jnp.maximum(jnp.minimum(m1, m2), jnp.maximum(n1, n2))
            plsc.store_scatter(dst, [r, i0], jnp.where(b0 >= second, a0, zero))
            plsc.store_scatter(dst, [r, i0 + 1], jnp.where(b1 >= second, a1, zero))
            plsc.store_scatter(dst, [r, i0 + 2], jnp.where(b2 >= second, a2, zero))
            plsc.store_scatter(dst, [r, i0 + 3], jnp.where(b3 >= second, a3, zero))

    for b in range(_NBUF):
        load(b, b)

    def g_body(g, _):
        for b in range(_NBUF):
            ci = g * _NBUF + b
            wait_in(b)

            @pl.when(g > 0)
            def _():
                wait_out(b)

            compute(b)
            store(ci, b)

            @pl.when(ci + _NBUF < n_chunks)
            def _():
                load(ci + _NBUF, b)

        return 0

    lax.fori_loop(0, n_chunks // _NBUF, g_body, 0)
    for ci in range((n_chunks // _NBUF) * _NBUF, n_chunks):
        b = ci % _NBUF
        wait_in(b)
        wait_out(b)
        compute(b)
        store(ci, b)
    for b in range(_NBUF):
        wait_out(b)


def kernel(input):
    n, d = input.shape
    assert n % (_NWORKERS * _ROWS) == 0 and d % _WIN == 0
    assert n >= _NWORKERS * _ROWS * _NBUF
    mesh = plsc.VectorSubcoreMesh(core_axis_name="c", subcore_axis_name="s")
    return pl.kernel(
        _sc_body,
        out_type=jax.ShapeDtypeStruct((n, d), jnp.float32),
        mesh=mesh,
        scratch_types=[pltpu.VMEM((_ROWS, d), jnp.float32)] * (2 * _NBUF)
        + [pltpu.SemaphoreType.DMA] * (2 * _NBUF),
        compiler_params=pltpu.CompilerParams(
            needs_layout_passes=False, use_tc_tiling_on_sc=True
        ),
    )(input)

# --- scband reference (transcript-rebuilt; emitter-appended) ---
"""Pipeline reference for scband-sparsity-60095182405891 (READ-ONLY COPY).

The authoritative reference and input builder live on the scoring server;
editing this copy changes nothing except your own understanding.
"""

import jax, jax.numpy as jnp
import numpy as np

M_BLOCK = 4
N_KEEP = 2

def setup_inputs(seed: int = 0) -> dict:
    key = jax.random.key(seed)
    x = jax.random.normal(key, (16384, 2048), dtype=jnp.float32)
    return {"input": x}

def reference(input):
    # 2D path of SparsityFunction2: N:M block top-k masking along feature dim.
    N, D = input.shape
    m, n = M_BLOCK, N_KEEP
    b = jnp.abs(input).reshape(N, D // m, m)
    # top-k over block dim (size m)
    vals, _ = jax.lax.top_k(b, n)
    thresh = vals[:, :, n - 1:n]  # n-th largest value per block, shape (N, D//m, 1)
    mask = jnp.where(b < thresh, 0.0, 1.0).astype(input.dtype)
    mask = mask.reshape(N, D)
    return input * mask

if __name__ == "__main__":
    import jax
    _d = setup_inputs()
    print(jax.jit(kernel)(*tuple(_d.values())))

</pallas_src>

<mosaic_0001>
#map = affine_map<(d0, d1) -> (0, 0)>
module attributes {stable_mosaic.version = 14 : i64} {
  func.func @_sc_body(%arg0: i32, %arg1: i32, %arg2: memref<16384x2048xf32, #tpu.memory_space<hbm>>, %arg3: memref<16384x2048xf32, #tpu.memory_space<hbm>>, %arg4: memref<8x2048xf32, #tpu.memory_space<vmem>>, %arg5: memref<8x2048xf32, #tpu.memory_space<vmem>>, %arg6: memref<8x2048xf32, #tpu.memory_space<vmem>>, %arg7: memref<8x2048xf32, #tpu.memory_space<vmem>>, %arg8: memref<8x2048xf32, #tpu.memory_space<vmem>>, %arg9: memref<8x2048xf32, #tpu.memory_space<vmem>>, %arg10: memref<!tpu.dma_semaphore, #tpu.memory_space<semaphore_mem>>, %arg11: memref<!tpu.dma_semaphore, #tpu.memory_space<semaphore_mem>>, %arg12: memref<!tpu.dma_semaphore, #tpu.memory_space<semaphore_mem>>, %arg13: memref<!tpu.dma_semaphore, #tpu.memory_space<semaphore_mem>>, %arg14: memref<!tpu.dma_semaphore, #tpu.memory_space<semaphore_mem>>, %arg15: memref<!tpu.dma_semaphore, #tpu.memory_space<semaphore_mem>>) attributes {dimension_semantics = [#tpu.dimension_semantics<core_parallel>, #tpu.dimension_semantics<subcore_parallel>], iteration_bounds = array<i64: 2, 16>, scalar_prefetch = 0 : i64, scratch_operands = 12 : i64, tpu.core_type = #tpu.core_type<sc_vector_subcore>, window_params = [{transform_indices = #map}, {transform_indices = #map}]} {
    %mul3A = arith.constant 2 : i32
    %mul3A_0 = arith.muli %arg1, %mul3A : i32
    %add3A = arith.addi %mul3A_0, %arg0 : i32
    %mul3A_1 = arith.constant 512 : i32
    %mul3A_2 = arith.muli %add3A, %mul3A_1 : i32
    %iota3A = tpu.iota {dimensions = array<i32: 0>} : vector<16xi32>
    %mul3A_3 = arith.constant 4 : i32
    %mul3A_4 = vector.broadcast %mul3A_3 : i32 to vector<16xi32>
    %mul3A_5 = arith.muli %iota3A, %mul3A_4 : vector<16xi32>
    %broadcast_in_dim3A = arith.constant 0.000000e+00 : f32
    %broadcast_in_dim3A_6 = vector.broadcast %broadcast_in_dim3A : f32 to vector<16xf32>
    %add3A_7 = arith.constant 0 : i32
    %add3A_8 = arith.addi %mul3A_2, %add3A_7 : i32
    %dma_start3A = arith.constant 0 : i32
    %dma_start3A_9 = tpu.memref_slice %arg2[%add3A_8, %dma_start3A] : memref<16384x2048xf32, #tpu.memory_space<hbm>> -> memref<8x2048xf32, #tpu.memory_space<hbm>>
    %dma_start3A_10 = arith.constant 0 : i32
    %dma_start3A_11 = tpu.memref_slice %arg2[%add3A_8, %dma_start3A_10] : memref<16384x2048xf32, #tpu.memory_space<hbm>> -> memref<8x2048xf32, #tpu.memory_space<hbm>>
    tpu.enqueue_dma source(%dma_start3A_11 : memref<8x2048xf32, #tpu.memory_space<hbm>>) target(%arg4 : memref<8x2048xf32, #tpu.memory_space<vmem>>) target_semaphore(%arg10 : memref<!tpu.dma_semaphore, #tpu.memory_space<semaphore_mem>>)
    %add3A_12 = arith.constant 8 : i32
    %add3A_13 = arith.addi %mul3A_2, %add3A_12 : i32
    %dma_start3A_14 = arith.constant 0 : i32
    %dma_start3A_15 = tpu.memref_slice %arg2[%add3A_13, %dma_start3A_14] : memref<16384x2048xf32, #tpu.memory_space<hbm>> -> memref<8x2048xf32, #tpu.memory_space<hbm>>
    %dma_start3A_16 = arith.constant 0 : i32
    %dma_start3A_17 = tpu.memref_slice %arg2[%add3A_13, %dma_start3A_16] : memref<16384x2048xf32, #tpu.memory_space<hbm>> -> memref<8x2048xf32, #tpu.memory_space<hbm>>
    tpu.enqueue_dma source(%dma_start3A_17 : memref<8x2048xf32, #tpu.memory_space<hbm>>) target(%arg5 : memref<8x2048xf32, #tpu.memory_space<vmem>>) target_semaphore(%arg11 : memref<!tpu.dma_semaphore, #tpu.memory_space<semaphore_mem>>)
    %add3A_18 = arith.constant 16 : i32
    %add3A_19 = arith.addi %mul3A_2, %add3A_18 : i32
    %dma_start3A_20 = arith.constant 0 : i32
    %dma_start3A_21 = tpu.memref_slice %arg2[%add3A_19, %dma_start3A_20] : memref<16384x2048xf32, #tpu.memory_space<hbm>> -> memref<8x2048xf32, #tpu.memory_space<hbm>>
    %dma_start3A_22 = arith.constant 0 : i32
    %dma_start3A_23 = tpu.memref_slice %arg2[%add3A_19, %dma_start3A_22] : memref<16384x2048xf32, #tpu.memory_space<hbm>> -> memref<8x2048xf32, #tpu.memory_space<hbm>>
    tpu.enqueue_dma source(%dma_start3A_23 : memref<8x2048xf32, #tpu.memory_space<hbm>>) target(%arg6 : memref<8x2048xf32, #tpu.memory_space<vmem>>) target_semaphore(%arg12 : memref<!tpu.dma_semaphore, #tpu.memory_space<semaphore_mem>>)
    %scan3A = arith.constant 0 : i32
    %scan3A_24 = arith.constant 0 : i32
    %scan3A_25 = arith.constant 21 : i32
    %scan3A_26 = arith.addi %scan3A_24, %scan3A_25 : i32
    %scan3A_27 = arith.constant 1 : i32
    %scan3A_28 = scf.for %scan3A_57 = %scan3A_24 to %scan3A_26 step %scan3A_27 iter_args(%scan3A_58 = %scan3A) -> (i32)  : i32 {
      %mul3A_59 = arith.constant 3 : i32
      %mul3A_60 = arith.muli %scan3A_57, %mul3A_59 : i32
      %add3A_61 = arith.constant 0 : i32
      %add3A_62 = arith.addi %mul3A_60, %add3A_61 : i32
      %dma_wait3A_63 = arith.constant 0 : i32
      %dma_wait3A_64 = tpu.memref_slice %arg2[%mul3A_2, %dma_wait3A_63] : memref<16384x2048xf32, #tpu.memory_space<hbm>> -> memref<8x2048xf32, #tpu.memory_space<hbm>>
      %dma_wait3A_65 = arith.constant 0 : i32
      %dma_wait3A_66 = tpu.memref_slice %arg2[%mul3A_2, %dma_wait3A_65] : memref<16384x2048xf32, #tpu.memory_space<hbm>> -> memref<8x2048xf32, #tpu.memory_space<hbm>>
      tpu.wait_dma2 semaphore(%arg10 : memref<!tpu.dma_semaphore, #tpu.memory_space<semaphore_mem>>) src(%dma_wait3A_66 : memref<8x2048xf32, #tpu.memory_space<hbm>>) dst(%arg4 : memref<8x2048xf32, #tpu.memory_space<vmem>>)
      %gt3A = arith.constant 0 : i32
      %gt3A_67 = arith.cmpi sgt, %scan3A_57, %gt3A : i32
      %convert_element_type3A = arith.extui %gt3A_67 : i1 to i32
      %cond3A = arith.constant 0 : i32
      %cond3A_68 = arith.cmpi ne, %convert_element_type3A, %cond3A : i32
      scf.if %cond3A_68 {
        %dma_wait3A_146 = arith.constant 0 : i32
        %dma_wait3A_147 = tpu.memref_slice %arg3[%mul3A_2, %dma_wait3A_146] : memref<16384x2048xf32, #tpu.memory_space<hbm>> -> memref<8x2048xf32, #tpu.memory_space<hbm>>
        %dma_wait3A_148 = arith.constant 0 : i32
        %dma_wait3A_149 = tpu.memref_slice %arg3[%mul3A_2, %dma_wait3A_148] : memref<16384x2048xf32, #tpu.memory_space<hbm>> -> memref<8x2048xf32, #tpu.memory_space<hbm>>
        tpu.wait_dma2 semaphore(%arg13 : memref<!tpu.dma_semaphore, #tpu.memory_space<semaphore_mem>>) src(%arg7 : memref<8x2048xf32, #tpu.memory_space<vmem>>) dst(%dma_wait3A_149 : memref<8x2048xf32, #tpu.memory_space<hbm>>)
      } else {
      }
      %parallel_loop3A_69 = arith.constant 0 : i32
      %parallel_loop3A_70 = arith.constant 16384 : i32
      %parallel_loop3A_71 = arith.constant 64 : i32
      scf.for %parallel_loop3A_146 = %parallel_loop3A_69 to %parallel_loop3A_70 step %parallel_loop3A_71  : i32 {
        %parallel_loop3A_147 = arith.constant 2048 : i32
        %parallel_loop3A_148 = arith.divsi %parallel_loop3A_146, %parallel_loop3A_147 : i32
        %parallel_loop3A_149 = arith.constant 0 : i32
        %parallel_loop3A_150 = arith.cmpi sgt, %parallel_loop3A_146, %parallel_loop3A_149 : i32
        %parallel_loop3A_151 = arith.extui %parallel_loop3A_150 : i1 to i32
        %parallel_loop3A_152 = arith.constant 0 : i32
        %parallel_loop3A_153 = arith.cmpi slt, %parallel_loop3A_146, %parallel_loop3A_152 : i32
        %parallel_loop3A_154 = arith.extui %parallel_loop3A_153 : i1 to i32
        %parallel_loop3A_155 = arith.subi %parallel_loop3A_151, %parallel_loop3A_154 : i32
        %parallel_loop3A_156 = arith.constant 0 : i32
        %parallel_loop3A_157 = arith.cmpi sgt, %parallel_loop3A_147, %parallel_loop3A_156 : i32
        %parallel_loop3A_158 = arith.extui %parallel_loop3A_157 : i1 to i32
        %parallel_loop3A_159 = arith.constant 0 : i32
        %parallel_loop3A_160 = arith.cmpi slt, %parallel_loop3A_147, %parallel_loop3A_159 : i32
        %parallel_loop3A_161 = arith.extui %parallel_loop3A_160 : i1 to i32
        %parallel_loop3A_162 = arith.subi %parallel_loop3A_158, %parallel_loop3A_161 : i32
        %parallel_loop3A_163 = arith.cmpi ne, %parallel_loop3A_155, %parallel_loop3A_162 : i32
        %parallel_loop3A_164 = arith.remsi %parallel_loop3A_146, %parallel_loop3A_147 : i32
        %parallel_loop3A_165 = arith.constant 0 : i32
        %parallel_loop3A_166 = arith.cmpi ne, %parallel_loop3A_164, %parallel_loop3A_165 : i32
        %parallel_loop3A_167 = arith.andi %parallel_loop3A_163, %parallel_loop3A_166 : i1
        %parallel_loop3A_168 = arith.constant 1 : i32
        %parallel_loop3A_169 = arith.subi %parallel_loop3A_148, %parallel_loop3A_168 : i32
        %parallel_loop3A_170 = arith.select %parallel_loop3A_167, %parallel_loop3A_169, %parallel_loop3A_148 : i32
        %parallel_loop3A_171 = vector.broadcast %parallel_loop3A_170 : i32 to vector<16xi32>
        %parallel_loop3A_172 = arith.constant 2048 : i32
        %parallel_loop3A_173 = arith.constant 0 : i32
        %parallel_loop3A_174 = arith.cmpi eq, %parallel_loop3A_172, %parallel_loop3A_173 : i32
        %parallel_loop3A_175 = arith.constant 1 : i32
        %parallel_loop3A_176 = arith.select %parallel_loop3A_174, %parallel_loop3A_175, %parallel_loop3A_172 : i32
        %parallel_loop3A_177 = arith.remsi %parallel_loop3A_146, %parallel_loop3A_176 : i32
        %parallel_loop3A_178 = arith.constant 0 : i32
        %parallel_loop3A_179 = arith.cmpi ne, %parallel_loop3A_177, %parallel_loop3A_178 : i32
        %parallel_loop3A_180 = arith.constant 0 : i32
        %parallel_loop3A_181 = arith.cmpi slt, %parallel_loop3A_177, %parallel_loop3A_180 : i32
        %parallel_loop3A_182 = arith.constant 0 : i32
        %parallel_loop3A_183 = arith.cmpi slt, %parallel_loop3A_176, %parallel_loop3A_182 : i32
        %parallel_loop3A_184 = arith.xori %parallel_loop3A_181, %parallel_loop3A_183 : i1
        %parallel_loop3A_185 = arith.andi %parallel_loop3A_184, %parallel_loop3A_179 : i1
        %parallel_loop3A_186 = arith.addi %parallel_loop3A_177, %parallel_loop3A_176 : i32
        %parallel_loop3A_187 = arith.select %parallel_loop3A_185, %parallel_loop3A_186, %parallel_loop3A_177 : i32
        %parallel_loop3A_188 = vector.broadcast %parallel_loop3A_187 : i32 to vector<16xi32>
        %parallel_loop3A_189 = arith.addi %mul3A_5, %parallel_loop3A_188 : vector<16xi32>
        %parallel_loop3A_190 = tpu.vector_load_idx %arg4[%parallel_loop3A_171, %parallel_loop3A_189] : memref<8x2048xf32, #tpu.memory_space<vmem>>[vector<16xi32>, vector<16xi32>], vector<16xf32>,
        %parallel_loop3A_191 = arith.constant 1 : i32
        %parallel_loop3A_192 = vector.broadcast %parallel_loop3A_191 : i32 to vector<16xi32>
        %parallel_loop3A_193 = arith.addi %parallel_loop3A_189, %parallel_loop3A_192 : vector<16xi32>
        %parallel_loop3A_194 = tpu.vector_load_idx %arg4[%parallel_loop3A_171, %parallel_loop3A_193] : memref<8x2048xf32, #tpu.memory_space<vmem>>[vector<16xi32>, vector<16xi32>], vector<16xf32>,
        %parallel_loop3A_195 = arith.constant 2 : i32
        %parallel_loop3A_196 = vector.broadcast %parallel_loop3A_195 : i32 to vector<16xi32>
        %parallel_loop3A_197 = arith.addi %parallel_loop3A_189, %parallel_loop3A_196 : vector<16xi32>
        %parallel_loop3A_198 = tpu.vector_load_idx %arg4[%parallel_loop3A_171, %parallel_loop3A_197] : memref<8x2048xf32, #tpu.memory_space<vmem>>[vector<16xi32>, vector<16xi32>], vector<16xf32>,
        %parallel_loop3A_199 = arith.constant 3 : i32
        %parallel_loop3A_200 = vector.broadcast %parallel_loop3A_199 : i32 to vector<16xi32>
        %parallel_loop3A_201 = arith.addi %parallel_loop3A_189, %parallel_loop3A_200 : vector<16xi32>
        %parallel_loop3A_202 = tpu.vector_load_idx %arg4[%parallel_loop3A_171, %parallel_loop3A_201] : memref<8x2048xf32, #tpu.memory_space<vmem>>[vector<16xi32>, vector<16xi32>], vector<16xf32>,
        %parallel_loop3A_203 = math.absf %parallel_loop3A_190 : vector<16xf32>
        %parallel_loop3A_204 = math.absf %parallel_loop3A_194 : vector<16xf32>
        %parallel_loop3A_205 = math.absf %parallel_loop3A_198 : vector<16xf32>
        %parallel_loop3A_206 = math.absf %parallel_loop3A_202 : vector<16xf32>
        %parallel_loop3A_207 = arith.maximumf %parallel_loop3A_203, %parallel_loop3A_204 : vector<16xf32>
        %parallel_loop3A_208 = arith.minimumf %parallel_loop3A_203, %parallel_loop3A_204 : vector<16xf32>
        %parallel_loop3A_209 = arith.maximumf %parallel_loop3A_205, %parallel_loop3A_206 : vector<16xf32>
        %parallel_loop3A_210 = arith.minimumf %parallel_loop3A_205, %parallel_loop3A_206 : vector<16xf32>
        %parallel_loop3A_211 = arith.minimumf %parallel_loop3A_207, %parallel_loop3A_209 : vector<16xf32>
        %parallel_loop3A_212 = arith.maximumf %parallel_loop3A_208, %parallel_loop3A_210 : vector<16xf32>
        %parallel_loop3A_213 = arith.maximumf %parallel_loop3A_211, %parallel_loop3A_212 : vector<16xf32>
        %parallel_loop3A_214 = arith.cmpf oge, %parallel_loop3A_203, %parallel_loop3A_213 : vector<16xf32>
        %parallel_loop3A_215 = arith.select %parallel_loop3A_214, %parallel_loop3A_190, %broadcast_in_dim3A_6 : vector<16xi1>, vector<16xf32>
        tpu.vector_store_idx %arg7[%parallel_loop3A_171, %parallel_loop3A_189], %parallel_loop3A_215 : memref<8x2048xf32, #tpu.memory_space<vmem>>[vector<16xi32>, vector<16xi32>], vector<16xf32>,
        %parallel_loop3A_216 = arith.constant 1 : i32
        %parallel_loop3A_217 = vector.broadcast %parallel_loop3A_216 : i32 to vector<16xi32>
        %parallel_loop3A_218 = arith.addi %parallel_loop3A_189, %parallel_loop3A_217 : vector<16xi32>
        %parallel_loop3A_219 = arith.cmpf oge, %parallel_loop3A_204, %parallel_loop3A_213 : vector<16xf32>
        %parallel_loop3A_220 = arith.select %parallel_loop3A_219, %parallel_loop3A_194, %broadcast_in_dim3A_6 : vector<16xi1>, vector<16xf32>
        tpu.vector_store_idx %arg7[%parallel_loop3A_171, %parallel_loop3A_218], %parallel_loop3A_220 : memref<8x2048xf32, #tpu.memory_space<vmem>>[vector<16xi32>, vector<16xi32>], vector<16xf32>,
        %parallel_loop3A_221 = arith.constant 2 : i32
        %parallel_loop3A_222 = vector.broadcast %parallel_loop3A_221 : i32 to vector<16xi32>
        %parallel_loop3A_223 = arith.addi %parallel_loop3A_189, %parallel_loop3A_222 : vector<16xi32>
        %parallel_loop3A_224 = arith.cmpf oge, %parallel_loop3A_205, %parallel_loop3A_213 : vector<16xf32>
        %parallel_loop3A_225 = arith.select %parallel_loop3A_224, %parallel_loop3A_198, %broadcast_in_dim3A_6 : vector<16xi1>, vector<16xf32>
        tpu.vector_store_idx %arg7[%parallel_loop3A_171, %parallel_loop3A_223], %parallel_loop3A_225 : memref<8x2048xf32, #tpu.memory_space<vmem>>[vector<16xi32>, vector<16xi32>], vector<16xf32>,
        %parallel_loop3A_226 = arith.constant 3 : i32
        %parallel_loop3A_227 = vector.broadcast %parallel_loop3A_226 : i32 to vector<16xi32>
        %parallel_loop3A_228 = arith.addi %parallel_loop3A_189, %parallel_loop3A_227 : vector<16xi32>
        %parallel_loop3A_229 = arith.cmpf oge, %parallel_loop3A_206, %parallel_loop3A_213 : vector<16xf32>
        %parallel_loop3A_230 = arith.select %parallel_loop3A_229, %parallel_loop3A_202, %broadcast_in_dim3A_6 : vector<16xi1>, vector<16xf32>
        tpu.vector_store_idx %arg7[%parallel_loop3A_171, %parallel_loop3A_228], %parallel_loop3A_230 : memref<8x2048xf32, #tpu.memory_space<vmem>>[vector<16xi32>, vector<16xi32>], vector<16xf32>,
      } {sc.loop_unroll_factor = 4 : i64, sc.parallel_access}
      %mul3A_72 = arith.constant 8 : i32
      %mul3A_73 = arith.muli %add3A_62, %mul3A_72 : i32
      %add3A_74 = arith.addi %mul3A_2, %mul3A_73 : i32
      %dma_start3A_75 = arith.constant 0 : i32
      %dma_start3A_76 = tpu.memref_slice %arg3[%add3A_74, %dma_start3A_75] : memref<16384x2048xf32, #tpu.memory_space<hbm>> -> memref<8x2048xf32, #tpu.memory_space<hbm>>
      %dma_start3A_77 = arith.constant 0 : i32
      %dma_start3A_78 = tpu.memref_slice %arg3[%add3A_74, %dma_start3A_77] : memref<16384x2048xf32, #tpu.memory_space<hbm>> -> memref<8x2048xf32, #tpu.memory_space<hbm>>
      tpu.enqueue_dma source(%arg7 : memref<8x2048xf32, #tpu.memory_space<vmem>>) target(%dma_start3A_78 : memref<8x2048xf32, #tpu.memory_space<hbm>>) target_semaphore(%arg13 : memref<!tpu.dma_semaphore, #tpu.memory_space<semaphore_mem>>)
      %add3A_79 = arith.constant 3 : i32
      %add3A_80 = arith.addi %add3A_62, %add3A_79 : i32
      %lt3A = arith.constant 64 : i32
      %lt3A_81 = arith.cmpi slt, %add3A_80, %lt3A : i32
      %convert_element_type3A_82 = arith.extui %lt3A_81 : i1 to i32
      %cond3A_83 = arith.constant 0 : i32
      %cond3A_84 = arith.cmpi ne, %convert_element_type3A_82, %cond3A_83 : i32
      scf.if %cond3A_84 {
        %add3A_146 = arith.constant 3 : i32
        %add3A_147 = arith.addi %add3A_62, %add3A_146 : i32
        %mul3A_148 = arith.constant 8 : i32
        %mul3A_149 = arith.muli %add3A_147, %mul3A_148 : i32
        %add3A_150 = arith.addi %mul3A_2, %mul3A_149 : i32
        %dma_start3A_151 = arith.constant 0 : i32
        %dma_start3A_152 = tpu.memref_slice %arg2[%add3A_150, %dma_start3A_151] : memref<16384x2048xf32, #tpu.memory_space<hbm>> -> memref<8x2048xf32, #tpu.memory_space<hbm>>
        %dma_start3A_153 = arith.constant 0 : i32
        %dma_start3A_154 = tpu.memref_slice %arg2[%add3A_150, %dma_start3A_153] : memref<16384x2048xf32, #tpu.memory_space<hbm>> -> memref<8x2048xf32, #tpu.memory_space<hbm>>
        tpu.enqueue_dma source(%dma_start3A_154 : memref<8x2048xf32, #tpu.memory_space<hbm>>) target(%arg4 : memref<8x2048xf32, #tpu.memory_space<vmem>>) target_semaphore(%arg10 : memref<!tpu.dma_semaphore, #tpu.memory_space<semaphore_mem>>)
      } else {
      }
      %mul3A_85 = arith.constant 3 : i32
      %mul3A_86 = arith.muli %scan3A_57, %mul3A_85 : i32
      %add3A_87 = arith.constant 1 : i32
      %add3A_88 = arith.addi %mul3A_86, %add3A_87 : i32
      %dma_wait3A_89 = arith.constant 0 : i32
      %dma_wait3A_90 = tpu.memref_slice %arg2[%mul3A_2, %dma_wait3A_89] : memref<16384x2048xf32, #tpu.memory_space<hbm>> -> memref<8x2048xf32, #tpu.memory_space<hbm>>
      %dma_wait3A_91 = arith.constant 0 : i32
      %dma_wait3A_92 = tpu.memref_slice %arg2[%mul3A_2, %dma_wait3A_91] : memref<16384x2048xf32, #tpu.memory_space<hbm>> -> memref<8x2048xf32, #tpu.memory_space<hbm>>
      tpu.wait_dma2 semaphore(%arg11 : memref<!tpu.dma_semaphore, #tpu.memory_space<semaphore_mem>>) src(%dma_wait3A_92 : memref<8x2048xf32, #tpu.memory_space<hbm>>) dst(%arg5 : memref<8x2048xf32, #tpu.memory_space<vmem>>)
      %gt3A_93 = arith.constant 0 : i32
      %gt3A_94 = arith.cmpi sgt, %scan3A_57, %gt3A_93 : i32
      %convert_element_type3A_95 = arith.extui %gt3A_94 : i1 to i32
      %cond3A_96 = arith.constant 0 : i32
      %cond3A_97 = arith.cmpi ne, %convert_element_type3A_95, %cond3A_96 : i32
      scf.if %cond3A_97 {
        %dma_wait3A_146 = arith.constant 0 : i32
        %dma_wait3A_147 = tpu.memref_slice %arg3[%mul3A_2, %dma_wait3A_146] : memref<16384x2048xf32, #tpu.memory_space<hbm>> -> memref<8x2048xf32, #tpu.memory_space<hbm>>
        %dma_wait3A_148 = arith.constant 0 : i32
        %dma_wait3A_149 = tpu.memref_slice %arg3[%mul3A_2, %dma_wait3A_148] : memref<16384x2048xf32, #tpu.memory_space<hbm>> -> memref<8x2048xf32, #tpu.memory_space<hbm>>
        tpu.wait_dma2 semaphore(%arg14 : memref<!tpu.dma_semaphore, #tpu.memory_space<semaphore_mem>>) src(%arg8 : memref<8x2048xf32, #tpu.memory_space<vmem>>) dst(%dma_wait3A_149 : memref<8x2048xf32, #tpu.memory_space<hbm>>)
      } else {
      }
      %parallel_loop3A_98 = arith.constant 0 : i32
      %parallel_loop3A_99 = arith.constant 16384 : i32
      %parallel_loop3A_100 = arith.constant 64 : i32
      scf.for %parallel_loop3A_146 = %parallel_loop3A_98 to %parallel_loop3A_99 step %parallel_loop3A_100  : i32 {
        %parallel_loop3A_147 = arith.constant 2048 : i32
        %parallel_loop3A_148 = arith.divsi %parallel_loop3A_146, %parallel_loop3A_147 : i32
        %parallel_loop3A_149 = arith.constant 0 : i32
        %parallel_loop3A_150 = arith.cmpi sgt, %parallel_loop3A_146, %parallel_loop3A_149 : i32
        %parallel_loop3A_151 = arith.extui %parallel_loop3A_150 : i1 to i32
        %parallel_loop3A_152 = arith.constant 0 : i32
        %parallel_loop3A_153 = arith.cmpi slt, %parallel_loop3A_146, %parallel_loop3A_152 : i32
        %parallel_loop3A_154 = arith.extui %parallel_loop3A_153 : i1 to i32
        %parallel_loop3A_155 = arith.subi %parallel_loop3A_151, %parallel_loop3A_154 : i32
        %parallel_loop3A_156 = arith.constant 0 : i32
        %parallel_loop3A_157 = arith.cmpi sgt, %parallel_loop3A_147, %parallel_loop3A_156 : i32
        %parallel_loop3A_158 = arith.extui %parallel_loop3A_157 : i1 to i32
        %parallel_loop3A_159 = arith.constant 0 : i32
        %parallel_loop3A_160 = arith.cmpi slt, %parallel_loop3A_147, %parallel_loop3A_159 : i32
        %parallel_loop3A_161 = arith.extui %parallel_loop3A_160 : i1 to i32
        %parallel_loop3A_162 = arith.subi %parallel_loop3A_158, %parallel_loop3A_161 : i32
        %parallel_loop3A_163 = arith.cmpi ne, %parallel_loop3A_155, %parallel_loop3A_162 : i32
        %parallel_loop3A_164 = arith.remsi %parallel_loop3A_146, %parallel_loop3A_147 : i32
        %parallel_loop3A_165 = arith.constant 0 : i32
        %parallel_loop3A_166 = arith.cmpi ne, %parallel_loop3A_164, %parallel_loop3A_165 : i32
        %parallel_loop3A_167 = arith.andi %parallel_loop3A_163, %parallel_loop3A_166 : i1
        %parallel_loop3A_168 = arith.constant 1 : i32
        %parallel_loop3A_169 = arith.subi %parallel_loop3A_148, %parallel_loop3A_168 : i32
        %parallel_loop3A_170 = arith.select %parallel_loop3A_167, %parallel_loop3A_169, %parallel_loop3A_148 : i32
        %parallel_loop3A_171 = vector.broadcast %parallel_loop3A_170 : i32 to vector<16xi32>
        %parallel_loop3A_172 = arith.constant 2048 : i32
        %parallel_loop3A_173 = arith.constant 0 : i32
        %parallel_loop3A_174 = arith.cmpi eq, %parallel_loop3A_172, %parallel_loop3A_173 : i32
        %parallel_loop3A_175 = arith.constant 1 : i32
        %parallel_loop3A_176 = arith.select %parallel_loop3A_174, %parallel_loop3A_175, %parallel_loop3A_172 : i32
        %parallel_loop3A_177 = arith.remsi %parallel_loop3A_146, %parallel_loop3A_176 : i32
        %parallel_loop3A_178 = arith.constant 0 : i32
        %parallel_loop3A_179 = arith.cmpi ne, %parallel_loop3A_177, %parallel_loop3A_178 : i32
        %parallel_loop3A_180 = arith.constant 0 : i32
        %parallel_loop3A_181 = arith.cmpi slt, %parallel_loop3A_177, %parallel_loop3A_180 : i32
        %parallel_loop3A_182 = arith.constant 0 : i32
        %parallel_loop3A_183 = arith.cmpi slt, %parallel_loop3A_176, %parallel_loop3A_182 : i32
        %parallel_loop3A_184 = arith.xori %parallel_loop3A_181, %parallel_loop3A_183 : i1
        %parallel_loop3A_185 = arith.andi %parallel_loop3A_184, %parallel_loop3A_179 : i1
        %parallel_loop3A_186 = arith.addi %parallel_loop3A_177, %parallel_loop3A_176 : i32
        %parallel_loop3A_187 = arith.select %parallel_loop3A_185, %parallel_loop3A_186, %parallel_loop3A_177 : i32
        %parallel_loop3A_188 = vector.broadcast %parallel_loop3A_187 : i32 to vector<16xi32>
        %parallel_loop3A_189 = arith.addi %mul3A_5, %parallel_loop3A_188 : vector<16xi32>
        %parallel_loop3A_190 = tpu.vector_load_idx %arg5[%parallel_loop3A_171, %parallel_loop3A_189] : memref<8x2048xf32, #tpu.memory_space<vmem>>[vector<16xi32>, vector<16xi32>], vector<16xf32>,
        %parallel_loop3A_191 = arith.constant 1 : i32
        %parallel_loop3A_192 = vector.broadcast %parallel_loop3A_191 : i32 to vector<16xi32>
        %parallel_loop3A_193 = arith.addi %parallel_loop3A_189, %parallel_loop3A_192 : vector<16xi32>
        %parallel_loop3A_194 = tpu.vector_load_idx %arg5[%parallel_loop3A_171, %parallel_loop3A_193] : memref<8x2048xf32, #tpu.memory_space<vmem>>[vector<16xi32>, vector<16xi32>], vector<16xf32>,
        %parallel_loop3A_195 = arith.constant 2 : i32
        %parallel_loop3A_196 = vector.broadcast %parallel_loop3A_195 : i32 to vector<16xi32>
        %parallel_loop3A_197 = arith.addi %parallel_loop3A_189, %parallel_loop3A_196 : vector<16xi32>
        %parallel_loop3A_198 = tpu.vector_load_idx %arg5[%parallel_loop3A_171, %parallel_loop3A_197] : memref<8x2048xf32, #tpu.memory_space<vmem>>[vector<16xi32>, vector<16xi32>], vector<16xf32>,
        %parallel_loop3A_199 = arith.constant 3 : i32
        %parallel_loop3A_200 = vector.broadcast %parallel_loop3A_199 : i32 to vector<16xi32>
        %parallel_loop3A_201 = arith.addi %parallel_loop3A_189, %parallel_loop3A_200 : vector<16xi32>
        %parallel_loop3A_202 = tpu.vector_load_idx %arg5[%parallel_loop3A_171, %parallel_loop3A_201] : memref<8x2048xf32, #tpu.memory_space<vmem>>[vector<16xi32>, vector<16xi32>], vector<16xf32>,
        %parallel_loop3A_203 = math.absf %parallel_loop3A_190 : vector<16xf32>
        %parallel_loop3A_204 = math.absf %parallel_loop3A_194 : vector<16xf32>
        %parallel_loop3A_205 = math.absf %parallel_loop3A_198 : vector<16xf32>
        %parallel_loop3A_206 = math.absf %parallel_loop3A_202 : vector<16xf32>
        %parallel_loop3A_207 = arith.maximumf %parallel_loop3A_203, %parallel_loop3A_204 : vector<16xf32>
        %parallel_loop3A_208 = arith.minimumf %parallel_loop3A_203, %parallel_loop3A_204 : vector<16xf32>
        %parallel_loop3A_209 = arith.maximumf %parallel_loop3A_205, %parallel_loop3A_206 : vector<16xf32>
        %parallel_loop3A_210 = arith.minimumf %parallel_loop3A_205, %parallel_loop3A_206 : vector<16xf32>
        %parallel_loop3A_211 = arith.minimumf %parallel_loop3A_207, %parallel_loop3A_209 : vector<16xf32>
        %parallel_loop3A_212 = arith.maximumf %parallel_loop3A_208, %parallel_loop3A_210 : vector<16xf32>
        %parallel_loop3A_213 = arith.maximumf %parallel_loop3A_211, %parallel_loop3A_212 : vector<16xf32>
        %parallel_loop3A_214 = arith.cmpf oge, %parallel_loop3A_203, %parallel_loop3A_213 : vector<16xf32>
        %parallel_loop3A_215 = arith.select %parallel_loop3A_214, %parallel_loop3A_190, %broadcast_in_dim3A_6 : vector<16xi1>, vector<16xf32>
        tpu.vector_store_idx %arg8[%parallel_loop3A_171, %parallel_loop3A_189], %parallel_loop3A_215 : memref<8x2048xf32, #tpu.memory_space<vmem>>[vector<16xi32>, vector<16xi32>], vector<16xf32>,
        %parallel_loop3A_216 = arith.constant 1 : i32
        %parallel_loop3A_217 = vector.broadcast %parallel_loop3A_216 : i32 to vector<16xi32>
        %parallel_loop3A_218 = arith.addi %parallel_loop3A_189, %parallel_loop3A_217 : vector<16xi32>
        %parallel_loop3A_219 = arith.cmpf oge, %parallel_loop3A_204, %parallel_loop3A_213 : vector<16xf32>
        %parallel_loop3A_220 = arith.select %parallel_loop3A_219, %parallel_loop3A_194, %broadcast_in_dim3A_6 : vector<16xi1>, vector<16xf32>
        tpu.vector_store_idx %arg8[%parallel_loop3A_171, %parallel_loop3A_218], %parallel_loop3A_220 : memref<8x2048xf32, #tpu.memory_space<vmem>>[vector<16xi32>, vector<16xi32>], vector<16xf32>,
        %parallel_loop3A_221 = arith.constant 2 : i32
        %parallel_loop3A_222 = vector.broadcast %parallel_loop3A_221 : i32 to vector<16xi32>
        %parallel_loop3A_223 = arith.addi %parallel_loop3A_189, %parallel_loop3A_222 : vector<16xi32>
        %parallel_loop3A_224 = arith.cmpf oge, %parallel_loop3A_205, %parallel_loop3A_213 : vector<16xf32>
        %parallel_loop3A_225 = arith.select %parallel_loop3A_224, %parallel_loop3A_198, %broadcast_in_dim3A_6 : vector<16xi1>, vector<16xf32>
        tpu.vector_store_idx %arg8[%parallel_loop3A_171, %parallel_loop3A_223], %parallel_loop3A_225 : memref<8x2048xf32, #tpu.memory_space<vmem>>[vector<16xi32>, vector<16xi32>], vector<16xf32>,
        %parallel_loop3A_226 = arith.constant 3 : i32
        %parallel_loop3A_227 = vector.broadcast %parallel_loop3A_226 : i32 to vector<16xi32>
        %parallel_loop3A_228 = arith.addi %parallel_loop3A_189, %parallel_loop3A_227 : vector<16xi32>
        %parallel_loop3A_229 = arith.cmpf oge, %parallel_loop3A_206, %parallel_loop3A_213 : vector<16xf32>
        %parallel_loop3A_230 = arith.select %parallel_loop3A_229, %parallel_loop3A_202, %broadcast_in_dim3A_6 : vector<16xi1>, vector<16xf32>
        tpu.vector_store_idx %arg8[%parallel_loop3A_171, %parallel_loop3A_228], %parallel_loop3A_230 : memref<8x2048xf32, #tpu.memory_space<vmem>>[vector<16xi32>, vector<16xi32>], vector<16xf32>,
      } {sc.loop_unroll_factor = 4 : i64, sc.parallel_access}
      %mul3A_101 = arith.constant 8 : i32
      %mul3A_102 = arith.muli %add3A_88, %mul3A_101 : i32
      %add3A_103 = arith.addi %mul3A_2, %mul3A_102 : i32
      %dma_start3A_104 = arith.constant 0 : i32
      %dma_start3A_105 = tpu.memref_slice %arg3[%add3A_103, %dma_start3A_104] : memref<16384x2048xf32, #tpu.memory_space<hbm>> -> memref<8x2048xf32, #tpu.memory_space<hbm>>
      %dma_start3A_106 = arith.constant 0 : i32
      %dma_start3A_107 = tpu.memref_slice %arg3[%add3A_103, %dma_start3A_106] : memref<16384x2048xf32, #tpu.memory_space<hbm>> -> memref<8x2048xf32, #tpu.memory_space<hbm>>
      tpu.enqueue_dma source(%arg8 : memref<8x2048xf32, #tpu.memory_space<vmem>>) target(%dma_start3A_107 : memref<8x2048xf32, #tpu.memory_space<hbm>>) target_semaphore(%arg14 : memref<!tpu.dma_semaphore, #tpu.memory_space<semaphore_mem>>)
      %add3A_108 = arith.constant 3 : i32
      %add3A_109 = arith.addi %add3A_88, %add3A_108 : i32
      %lt3A_110 = arith.constant 64 : i32
      %lt3A_111 = arith.cmpi slt, %add3A_109, %lt3A_110 : i32
      %convert_element_type3A_112 = arith.extui %lt3A_111 : i1 to i32
      %cond3A_113 = arith.constant 0 : i32
      %cond3A_114 = arith.cmpi ne, %convert_element_type3A_112, %cond3A_113 : i32
      scf.if %cond3A_114 {
        %add3A_146 = arith.constant 3 : i32
        %add3A_147 = arith.addi %add3A_88, %add3A_146 : i32
        %mul3A_148 = arith.constant 8 : i32
        %mul3A_149 = arith.muli %add3A_147, %mul3A_148 : i32
        %add3A_150 = arith.addi %mul3A_2, %mul3A_149 : i32
        %dma_start3A_151 = arith.constant 0 : i32
        %dma_start3A_152 = tpu.memref_slice %arg2[%add3A_150, %dma_start3A_151] : memref<16384x2048xf32, #tpu.memory_space<hbm>> -> memref<8x2048xf32, #tpu.memory_space<hbm>>
        %dma_start3A_153 = arith.constant 0 : i32
        %dma_start3A_154 = tpu.memref_slice %arg2[%add3A_150, %dma_start3A_153] : memref<16384x2048xf32, #tpu.memory_space<hbm>> -> memref<8x2048xf32, #tpu.memory_space<hbm>>
        tpu.enqueue_dma source(%dma_start3A_154 : memref<8x2048xf32, #tpu.memory_space<hbm>>) target(%arg5 : memref<8x2048xf32, #tpu.memory_space<vmem>>) target_semaphore(%arg11 : memref<!tpu.dma_semaphore, #tpu.memory_space<semaphore_mem>>)
      } else {
      }
      %mul3A_115 = arith.constant 3 : i32
      %mul3A_116 = arith.muli %scan3A_57, %mul3A_115 : i32
      %add3A_117 = arith.constant 2 : i32
      %add3A_118 = arith.addi %mul3A_116, %add3A_117 : i32
      %dma_wait3A_119 = arith.constant 0 : i32
      %dma_wait3A_120 = tpu.memref_slice %arg2[%mul3A_2, %dma_wait3A_119] : memref<16384x2048xf32, #tpu.memory_space<hbm>> -> memref<8x2048xf32, #tpu.memory_space<hbm>>
      %dma_wait3A_121 = arith.constant 0 : i32
      %dma_wait3A_122 = tpu.memref_slice %arg2[%mul3A_2, %dma_wait3A_121] : memref<16384x2048xf32, #tpu.memory_space<hbm>> -> memref<8x2048xf32, #tpu.memory_space<hbm>>
      tpu.wait_dma2 semaphore(%arg12 : memref<!tpu.dma_semaphore, #tpu.memory_space<semaphore_mem>>) src(%dma_wait3A_122 : memref<8x2048xf32, #tpu.memory_space<hbm>>) dst(%arg6 : memref<8x2048xf32, #tpu.memory_space<vmem>>)
      %gt3A_123 = arith.constant 0 : i32
      %gt3A_124 = arith.cmpi sgt, %scan3A_57, %gt3A_123 : i32
      %convert_element_type3A_125 = arith.extui %gt3A_124 : i1 to i32
      %cond3A_126 = arith.constant 0 : i32
      %cond3A_127 = arith.cmpi ne, %convert_element_type3A_125, %cond3A_126 : i32
      scf.if %cond3A_127 {
        %dma_wait3A_146 = arith.constant 0 : i32
        %dma_wait3A_147 = tpu.memref_slice %arg3[%mul3A_2, %dma_wait3A_146] : memref<16384x2048xf32, #tpu.memory_space<hbm>> -> memref<8x2048xf32, #tpu.memory_space<hbm>>
        %dma_wait3A_148 = arith.constant 0 : i32
        %dma_wait3A_149 = tpu.memref_slice %arg3[%mul3A_2, %dma_wait3A_148] : memref<16384x2048xf32, #tpu.memory_space<hbm>> -> memref<8x2048xf32, #tpu.memory_space<hbm>>
        tpu.wait_dma2 semaphore(%arg15 : memref<!tpu.dma_semaphore, #tpu.memory_space<semaphore_mem>>) src(%arg9 : memref<8x2048xf32, #tpu.memory_space<vmem>>) dst(%dma_wait3A_149 : memref<8x2048xf32, #tpu.memory_space<hbm>>)
      } else {
      }
      %parallel_loop3A_128 = arith.constant 0 : i32
      %parallel_loop3A_129 = arith.constant 16384 : i32
      %parallel_loop3A_130 = arith.constant 64 : i32
      scf.for %parallel_loop3A_146 = %parallel_loop3A_128 to %parallel_loop3A_129 step %parallel_loop3A_130  : i32 {
        %parallel_loop3A_147 = arith.constant 2048 : i32
        %parallel_loop3A_148 = arith.divsi %parallel_loop3A_146, %parallel_loop3A_147 : i32
        %parallel_loop3A_149 = arith.constant 0 : i32
        %parallel_loop3A_150 = arith.cmpi sgt, %parallel_loop3A_146, %parallel_loop3A_149 : i32
        %parallel_loop3A_151 = arith.extui %parallel_loop3A_150 : i1 to i32
        %parallel_loop3A_152 = arith.constant 0 : i32
        %parallel_loop3A_153 = arith.cmpi slt, %parallel_loop3A_146, %parallel_loop3A_152 : i32
        %parallel_loop3A_154 = arith.extui %parallel_loop3A_153 : i1 to i32
        %parallel_loop3A_155 = arith.subi %parallel_loop3A_151, %parallel_loop3A_154 : i32
        %parallel_loop3A_156 = arith.constant 0 : i32
        %parallel_loop3A_157 = arith.cmpi sgt, %parallel_loop3A_147, %parallel_loop3A_156 : i32
        %parallel_loop3A_158 = arith.extui %parallel_loop3A_157 : i1 to i32
        %parallel_loop3A_159 = arith.constant 0 : i32
        %parallel_loop3A_160 = arith.cmpi slt, %parallel_loop3A_147, %parallel_loop3A_159 : i32
        %parallel_loop3A_161 = arith.extui %parallel_loop3A_160 : i1 to i32
        %parallel_loop3A_162 = arith.subi %parallel_loop3A_158, %parallel_loop3A_161 : i32
        %parallel_loop3A_163 = arith.cmpi ne, %parallel_loop3A_155, %parallel_loop3A_162 : i32
        %parallel_loop3A_164 = arith.remsi %parallel_loop3A_146, %parallel_loop3A_147 : i32
        %parallel_loop3A_165 = arith.constant 0 : i32
        %parallel_loop3A_166 = arith.cmpi ne, %parallel_loop3A_164, %parallel_loop3A_165 : i32
        %parallel_loop3A_167 = arith.andi %parallel_loop3A_163, %parallel_loop3A_166 : i1
        %parallel_loop3A_168 = arith.constant 1 : i32
        %parallel_loop3A_169 = arith.subi %parallel_loop3A_148, %parallel_loop3A_168 : i32
        %parallel_loop3A_170 = arith.select %parallel_loop3A_167, %parallel_loop3A_169, %parallel_loop3A_148 : i32
        %parallel_loop3A_171 = vector.broadcast %parallel_loop3A_170 : i32 to vector<16xi32>
        %parallel_loop3A_172 = arith.constant 2048 : i32
        %parallel_loop3A_173 = arith.constant 0 : i32
        %parallel_loop3A_174 = arith.cmpi eq, %parallel_loop3A_172, %parallel_loop3A_173 : i32
        %parallel_loop3A_175 = arith.constant 1 : i32
        %parallel_loop3A_176 = arith.select %parallel_loop3A_174, %parallel_loop3A_175, %parallel_loop3A_172 : i32
        %parallel_loop3A_177 = arith.remsi %parallel_loop3A_146, %parallel_loop3A_176 : i32
        %parallel_loop3A_178 = arith.constant 0 : i32
        %parallel_loop3A_179 = arith.cmpi ne, %parallel_loop3A_177, %parallel_loop3A_178 : i32
        %parallel_loop3A_180 = arith.constant 0 : i32
        %parallel_loop3A_181 = arith.cmpi slt, %parallel_loop3A_177, %parallel_loop3A_180 : i32
        %parallel_loop3A_182 = arith.constant 0 : i32
        %parallel_loop3A_183 = arith.cmpi slt, %parallel_loop3A_176, %parallel_loop3A_182 : i32
        %parallel_loop3A_184 = arith.xori %parallel_loop3A_181, %parallel_loop3A_183 : i1
        %parallel_loop3A_185 = arith.andi %parallel_loop3A_184, %parallel_loop3A_179 : i1
        %parallel_loop3A_186 = arith.addi %parallel_loop3A_177, %parallel_loop3A_176 : i32
        %parallel_loop3A_187 = arith.select %parallel_loop3A_185, %parallel_loop3A_186, %parallel_loop3A_177 : i32
        %parallel_loop3A_188 = vector.broadcast %parallel_loop3A_187 : i32 to vector<16xi32>
        %parallel_loop3A_189 = arith.addi %mul3A_5, %parallel_loop3A_188 : vector<16xi32>
        %parallel_loop3A_190 = tpu.vector_load_idx %arg6[%parallel_loop3A_171, %parallel_loop3A_189] : memref<8x2048xf32, #tpu.memory_space<vmem>>[vector<16xi32>, vector<16xi32>], vector<16xf32>,
        %parallel_loop3A_191 = arith.constant 1 : i32
        %parallel_loop3A_192 = vector.broadcast %parallel_loop3A_191 : i32 to vector<16xi32>
        %parallel_loop3A_193 = arith.addi %parallel_loop3A_189, %parallel_loop3A_192 : vector<16xi32>
        %parallel_loop3A_194 = tpu.vector_load_idx %arg6[%parallel_loop3A_171, %parallel_loop3A_193] : memref<8x2048xf32, #tpu.memory_space<vmem>>[vector<16xi32>, vector<16xi32>], vector<16xf32>,
        %parallel_loop3A_195 = arith.constant 2 : i32
        %parallel_loop3A_196 = vector.broadcast %parallel_loop3A_195 : i32 to vector<16xi32>
        %parallel_loop3A_197 = arith.addi %parallel_loop3A_189, %parallel_loop3A_196 : vector<16xi32>
        %parallel_loop3A_198 = tpu.vector_load_idx %arg6[%parallel_loop3A_171, %parallel_loop3A_197] : memref<8x2048xf32, #tpu.memory_space<vmem>>[vector<16xi32>, vector<16xi32>], vector<16xf32>,
        %parallel_loop3A_199 = arith.constant 3 : i32
        %parallel_loop3A_200 = vector.broadcast %parallel_loop3A_199 : i32 to vector<16xi32>
        %parallel_loop3A_201 = arith.addi %parallel_loop3A_189, %parallel_loop3A_200 : vector<16xi32>
        %parallel_loop3A_202 = tpu.vector_load_idx %arg6[%parallel_loop3A_171, %parallel_loop3A_201] : memref<8x2048xf32, #tpu.memory_space<vmem>>[vector<16xi32>, vector<16xi32>], vector<16xf32>,
        %parallel_loop3A_203 = math.absf %parallel_loop3A_190 : vector<16xf32>
        %parallel_loop3A_204 = math.absf %parallel_loop3A_194 : vector<16xf32>
        %parallel_loop3A_205 = math.absf %parallel_loop3A_198 : vector<16xf32>
        %parallel_loop3A_206 = math.absf %parallel_loop3A_202 : vector<16xf32>
        %parallel_loop3A_207 = arith.maximumf %parallel_loop3A_203, %parallel_loop3A_204 : vector<16xf32>
        %parallel_loop3A_208 = arith.minimumf %parallel_loop3A_203, %parallel_loop3A_204 : vector<16xf32>
        %parallel_loop3A_209 = arith.maximumf %parallel_loop3A_205, %parallel_loop3A_206 : vector<16xf32>
        %parallel_loop3A_210 = arith.minimumf %parallel_loop3A_205, %parallel_loop3A_206 : vector<16xf32>
        %parallel_loop3A_211 = arith.minimumf %parallel_loop3A_207, %parallel_loop3A_209 : vector<16xf32>
        %parallel_loop3A_212 = arith.maximumf %parallel_loop3A_208, %parallel_loop3A_210 : vector<16xf32>
        %parallel_loop3A_213 = arith.maximumf %parallel_loop3A_211, %parallel_loop3A_212 : vector<16xf32>
        %parallel_loop3A_214 = arith.cmpf oge, %parallel_loop3A_203, %parallel_loop3A_213 : vector<16xf32>
        %parallel_loop3A_215 = arith.select %parallel_loop3A_214, %parallel_loop3A_190, %broadcast_in_dim3A_6 : vector<16xi1>, vector<16xf32>
        tpu.vector_store_idx %arg9[%parallel_loop3A_171, %parallel_loop3A_189], %parallel_loop3A_215 : memref<8x2048xf32, #tpu.memory_space<vmem>>[vector<16xi32>, vector<16xi32>], vector<16xf32>,
        %parallel_loop3A_216 = arith.constant 1 : i32
        %parallel_loop3A_217 = vector.broadcast %parallel_loop3A_216 : i32 to vector<16xi32>
        %parallel_loop3A_218 = arith.addi %parallel_loop3A_189, %parallel_loop3A_217 : vector<16xi32>
        %parallel_loop3A_219 = arith.cmpf oge, %parallel_loop3A_204, %parallel_loop3A_213 : vector<16xf32>
        %parallel_loop3A_220 = arith.select %parallel_loop3A_219, %parallel_loop3A_194, %broadcast_in_dim3A_6 : vector<16xi1>, vector<16xf32>
        tpu.vector_store_idx %arg9[%parallel_loop3A_171, %parallel_loop3A_218], %parallel_loop3A_220 : memref<8x2048xf32, #tpu.memory_space<vmem>>[vector<16xi32>, vector<16xi32>], vector<16xf32>,
        %parallel_loop3A_221 = arith.constant 2 : i32
        %parallel_loop3A_222 = vector.broadcast %parallel_loop3A_221 : i32 to vector<16xi32>
        %parallel_loop3A_223 = arith.addi %parallel_loop3A_189, %parallel_loop3A_222 : vector<16xi32>
        %parallel_loop3A_224 = arith.cmpf oge, %parallel_loop3A_205, %parallel_loop3A_213 : vector<16xf32>
        %parallel_loop3A_225 = arith.select %parallel_loop3A_224, %parallel_loop3A_198, %broadcast_in_dim3A_6 : vector<16xi1>, vector<16xf32>
        tpu.vector_store_idx %arg9[%parallel_loop3A_171, %parallel_loop3A_223], %parallel_loop3A_225 : memref<8x2048xf32, #tpu.memory_space<vmem>>[vector<16xi32>, vector<16xi32>], vector<16xf32>,
        %parallel_loop3A_226 = arith.constant 3 : i32
        %parallel_loop3A_227 = vector.broadcast %parallel_loop3A_226 : i32 to vector<16xi32>
        %parallel_loop3A_228 = arith.addi %parallel_loop3A_189, %parallel_loop3A_227 : vector<16xi32>
        %parallel_loop3A_229 = arith.cmpf oge, %parallel_loop3A_206, %parallel_loop3A_213 : vector<16xf32>
        %parallel_loop3A_230 = arith.select %parallel_loop3A_229, %parallel_loop3A_202, %broadcast_in_dim3A_6 : vector<16xi1>, vector<16xf32>
        tpu.vector_store_idx %arg9[%parallel_loop3A_171, %parallel_loop3A_228], %parallel_loop3A_230 : memref<8x2048xf32, #tpu.memory_space<vmem>>[vector<16xi32>, vector<16xi32>], vector<16xf32>,
      } {sc.loop_unroll_factor = 4 : i64, sc.parallel_access}
      %mul3A_131 = arith.constant 8 : i32
      %mul3A_132 = arith.muli %add3A_118, %mul3A_131 : i32
      %add3A_133 = arith.addi %mul3A_2, %mul3A_132 : i32
      %dma_start3A_134 = arith.constant 0 : i32
      %dma_start3A_135 = tpu.memref_slice %arg3[%add3A_133, %dma_start3A_134] : memref<16384x2048xf32, #tpu.memory_space<hbm>> -> memref<8x2048xf32, #tpu.memory_space<hbm>>
      %dma_start3A_136 = arith.constant 0 : i32
      %dma_start3A_137 = tpu.memref_slice %arg3[%add3A_133, %dma_start3A_136] : memref<16384x2048xf32, #tpu.memory_space<hbm>> -> memref<8x2048xf32, #tpu.memory_space<hbm>>
      tpu.enqueue_dma source(%arg9 : memref<8x2048xf32, #tpu.memory_space<vmem>>) target(%dma_start3A_137 : memref<8x2048xf32, #tpu.memory_space<hbm>>) target_semaphore(%arg15 : memref<!tpu.dma_semaphore, #tpu.memory_space<semaphore_mem>>)
      %add3A_138 = arith.constant 3 : i32
      %add3A_139 = arith.addi %add3A_118, %add3A_138 : i32
      %lt3A_140 = arith.constant 64 : i32
      %lt3A_141 = arith.cmpi slt, %add3A_139, %lt3A_140 : i32
      %convert_element_type3A_142 = arith.extui %lt3A_141 : i1 to i32
      %cond3A_143 = arith.constant 0 : i32
      %cond3A_144 = arith.cmpi ne, %convert_element_type3A_142, %cond3A_143 : i32
      scf.if %cond3A_144 {
        %add3A_146 = arith.constant 3 : i32
        %add3A_147 = arith.addi %add3A_118, %add3A_146 : i32
        %mul3A_148 = arith.constant 8 : i32
        %mul3A_149 = arith.muli %add3A_147, %mul3A_148 : i32
        %add3A_150 = arith.addi %mul3A_2, %mul3A_149 : i32
        %dma_start3A_151 = arith.constant 0 : i32
        %dma_start3A_152 = tpu.memref_slice %arg2[%add3A_150, %dma_start3A_151] : memref<16384x2048xf32, #tpu.memory_space<hbm>> -> memref<8x2048xf32, #tpu.memory_space<hbm>>
        %dma_start3A_153 = arith.constant 0 : i32
        %dma_start3A_154 = tpu.memref_slice %arg2[%add3A_150, %dma_start3A_153] : memref<16384x2048xf32, #tpu.memory_space<hbm>> -> memref<8x2048xf32, #tpu.memory_space<hbm>>
        tpu.enqueue_dma source(%dma_start3A_154 : memref<8x2048xf32, #tpu.memory_space<hbm>>) target(%arg6 : memref<8x2048xf32, #tpu.memory_space<vmem>>) target_semaphore(%arg12 : memref<!tpu.dma_semaphore, #tpu.memory_space<semaphore_mem>>)
      } else {
      }
      %scan3A_145 = arith.constant 0 : i32
      scf.yield %scan3A_145 : i32
    }
    %scan3A_29 = arith.constant 21 : i32
    %dma_wait3A = arith.constant 0 : i32
    %dma_wait3A_30 = tpu.memref_slice %arg2[%mul3A_2, %dma_wait3A] : memref<16384x2048xf32, #tpu.memory_space<hbm>> -> memref<8x2048xf32, #tpu.memory_space<hbm>>
    %dma_wait3A_31 = arith.constant 0 : i32
    %dma_wait3A_32 = tpu.memref_slice %arg2[%mul3A_2, %dma_wait3A_31] : memref<16384x2048xf32, #tpu.memory_space<hbm>> -> memref<8x2048xf32, #tpu.memory_space<hbm>>
    tpu.wait_dma2 semaphore(%arg10 : memref<!tpu.dma_semaphore, #tpu.memory_space<semaphore_mem>>) src(%dma_wait3A_32 : memref<8x2048xf32, #tpu.memory_space<hbm>>) dst(%arg4 : memref<8x2048xf32, #tpu.memory_space<vmem>>)
    %dma_wait3A_33 = arith.constant 0 : i32
    %dma_wait3A_34 = tpu.memref_slice %arg3[%mul3A_2, %dma_wait3A_33] : memref<16384x2048xf32, #tpu.memory_space<hbm>> -> memref<8x2048xf32, #tpu.memory_space<hbm>>
    %dma_wait3A_35 = arith.constant 0 : i32
    %dma_wait3A_36 = tpu.memref_slice %arg3[%mul3A_2, %dma_wait3A_35] : memref<16384x2048xf32, #tpu.memory_space<hbm>> -> memref<8x2048xf32, #tpu.memory_space<hbm>>
    tpu.wait_dma2 semaphore(%arg13 : memref<!tpu.dma_semaphore, #tpu.memory_space<semaphore_mem>>) src(%arg7 : memref<8x2048xf32, #tpu.memory_space<vmem>>) dst(%dma_wait3A_36 : memref<8x2048xf32, #tpu.memory_space<hbm>>)
    %parallel_loop3A = arith.constant 0 : i32
    %parallel_loop3A_37 = arith.constant 16384 : i32
    %parallel_loop3A_38 = arith.constant 64 : i32
    scf.for %parallel_loop3A_57 = %parallel_loop3A to %parallel_loop3A_37 step %parallel_loop3A_38  : i32 {
      %parallel_loop3A_58 = arith.constant 2048 : i32
      %parallel_loop3A_59 = arith.divsi %parallel_loop3A_57, %parallel_loop3A_58 : i32
      %parallel_loop3A_60 = arith.constant 0 : i32
      %parallel_loop3A_61 = arith.cmpi sgt, %parallel_loop3A_57, %parallel_loop3A_60 : i32
      %parallel_loop3A_62 = arith.extui %parallel_loop3A_61 : i1 to i32
      %parallel_loop3A_63 = arith.constant 0 : i32
      %parallel_loop3A_64 = arith.cmpi slt, %parallel_loop3A_57, %parallel_loop3A_63 : i32
      %parallel_loop3A_65 = arith.extui %parallel_loop3A_64 : i1 to i32
      %parallel_loop3A_66 = arith.subi %parallel_loop3A_62, %parallel_loop3A_65 : i32
      %parallel_loop3A_67 = arith.constant 0 : i32
      %parallel_loop3A_68 = arith.cmpi sgt, %parallel_loop3A_58, %parallel_loop3A_67 : i32
      %parallel_loop3A_69 = arith.extui %parallel_loop3A_68 : i1 to i32
      %parallel_loop3A_70 = arith.constant 0 : i32
      %parallel_loop3A_71 = arith.cmpi slt, %parallel_loop3A_58, %parallel_loop3A_70 : i32
      %parallel_loop3A_72 = arith.extui %parallel_loop3A_71 : i1 to i32
      %parallel_loop3A_73 = arith.subi %parallel_loop3A_69, %parallel_loop3A_72 : i32
      %parallel_loop3A_74 = arith.cmpi ne, %parallel_loop3A_66, %parallel_loop3A_73 : i32
      %parallel_loop3A_75 = arith.remsi %parallel_loop3A_57, %parallel_loop3A_58 : i32
      %parallel_loop3A_76 = arith.constant 0 : i32
      %parallel_loop3A_77 = arith.cmpi ne, %parallel_loop3A_75, %parallel_loop3A_76 : i32
      %parallel_loop3A_78 = arith.andi %parallel_loop3A_74, %parallel_loop3A_77 : i1
      %parallel_loop3A_79 = arith.constant 1 : i32
      %parallel_loop3A_80 = arith.subi %parallel_loop3A_59, %parallel_loop3A_79 : i32
      %parallel_loop3A_81 = arith.select %parallel_loop3A_78, %parallel_loop3A_80, %parallel_loop3A_59 : i32
      %parallel_loop3A_82 = vector.broadcast %parallel_loop3A_81 : i32 to vector<16xi32>
      %parallel_loop3A_83 = arith.constant 2048 : i32
      %parallel_loop3A_84 = arith.constant 0 : i32
      %parallel_loop3A_85 = arith.cmpi eq, %parallel_loop3A_83, %parallel_loop3A_84 : i32
      %parallel_loop3A_86 = arith.constant 1 : i32
      %parallel_loop3A_87 = arith.select %parallel_loop3A_85, %parallel_loop3A_86, %parallel_loop3A_83 : i32
      %parallel_loop3A_88 = arith.remsi %parallel_loop3A_57, %parallel_loop3A_87 : i32
      %parallel_loop3A_89 = arith.constant 0 : i32
      %parallel_loop3A_90 = arith.cmpi ne, %parallel_loop3A_88, %parallel_loop3A_89 : i32
      %parallel_loop3A_91 = arith.constant 0 : i32
      %parallel_loop3A_92 = arith.cmpi slt, %parallel_loop3A_88, %parallel_loop3A_91 : i32
      %parallel_loop3A_93 = arith.constant 0 : i32
      %parallel_loop3A_94 = arith.cmpi slt, %parallel_loop3A_87, %parallel_loop3A_93 : i32
      %parallel_loop3A_95 = arith.xori %parallel_loop3A_92, %parallel_loop3A_94 : i1
      %parallel_loop3A_96 = arith.andi %parallel_loop3A_95, %parallel_loop3A_90 : i1
      %parallel_loop3A_97 = arith.addi %parallel_loop3A_88, %parallel_loop3A_87 : i32
      %parallel_loop3A_98 = arith.select %parallel_loop3A_96, %parallel_loop3A_97, %parallel_loop3A_88 : i32
      %parallel_loop3A_99 = vector.broadcast %parallel_loop3A_98 : i32 to vector<16xi32>
      %parallel_loop3A_100 = arith.addi %mul3A_5, %parallel_loop3A_99 : vector<16xi32>
      %parallel_loop3A_101 = tpu.vector_load_idx %arg4[%parallel_loop3A_82, %parallel_loop3A_100] : memref<8x2048xf32, #tpu.memory_space<vmem>>[vector<16xi32>, vector<16xi32>], vector<16xf32>,
      %parallel_loop3A_102 = arith.constant 1 : i32
      %parallel_loop3A_103 = vector.broadcast %parallel_loop3A_102 : i32 to vector<16xi32>
      %parallel_loop3A_104 = arith.addi %parallel_loop3A_100, %parallel_loop3A_103 : vector<16xi32>
      %parallel_loop3A_105 = tpu.vector_load_idx %arg4[%parallel_loop3A_82, %parallel_loop3A_104] : memref<8x2048xf32, #tpu.memory_space<vmem>>[vector<16xi32>, vector<16xi32>], vector<16xf32>,
      %parallel_loop3A_106 = arith.constant 2 : i32
      %parallel_loop3A_107 = vector.broadcast %parallel_loop3A_106 : i32 to vector<16xi32>
      %parallel_loop3A_108 = arith.addi %parallel_loop3A_100, %parallel_loop3A_107 : vector<16xi32>
      %parallel_loop3A_109 = tpu.vector_load_idx %arg4[%parallel_loop3A_82, %parallel_loop3A_108] : memref<8x2048xf32, #tpu.memory_space<vmem>>[vector<16xi32>, vector<16xi32>], vector<16xf32>,
      %parallel_loop3A_110 = arith.constant 3 : i32
      %parallel_loop3A_111 = vector.broadcast %parallel_loop3A_110 : i32 to vector<16xi32>
      %parallel_loop3A_112 = arith.addi %parallel_loop3A_100, %parallel_loop3A_111 : vector<16xi32>
      %parallel_loop3A_113 = tpu.vector_load_idx %arg4[%parallel_loop3A_82, %parallel_loop3A_112] : memref<8x2048xf32, #tpu.memory_space<vmem>>[vector<16xi32>, vector<16xi32>], vector<16xf32>,
      %parallel_loop3A_114 = math.absf %parallel_loop3A_101 : vector<16xf32>
      %parallel_loop3A_115 = math.absf %parallel_loop3A_105 : vector<16xf32>
      %parallel_loop3A_116 = math.absf %parallel_loop3A_109 : vector<16xf32>
      %parallel_loop3A_117 = math.absf %parallel_loop3A_113 : vector<16xf32>
      %parallel_loop3A_118 = arith.maximumf %parallel_loop3A_114, %parallel_loop3A_115 : vector<16xf32>
      %parallel_loop3A_119 = arith.minimumf %parallel_loop3A_114, %parallel_loop3A_115 : vector<16xf32>
      %parallel_loop3A_120 = arith.maximumf %parallel_loop3A_116, %parallel_loop3A_117 : vector<16xf32>
      %parallel_loop3A_121 = arith.minimumf %parallel_loop3A_116, %parallel_loop3A_117 : vector<16xf32>
      %parallel_loop3A_122 = arith.minimumf %parallel_loop3A_118, %parallel_loop3A_120 : vector<16xf32>
      %parallel_loop3A_123 = arith.maximumf %parallel_loop3A_119, %parallel_loop3A_121 : vector<16xf32>
      %parallel_loop3A_124 = arith.maximumf %parallel_loop3A_122, %parallel_loop3A_123 : vector<16xf32>
      %parallel_loop3A_125 = arith.cmpf oge, %parallel_loop3A_114, %parallel_loop3A_124 : vector<16xf32>
      %parallel_loop3A_126 = arith.select %parallel_loop3A_125, %parallel_loop3A_101, %broadcast_in_dim3A_6 : vector<16xi1>, vector<16xf32>
      tpu.vector_store_idx %arg7[%parallel_loop3A_82, %parallel_loop3A_100], %parallel_loop3A_126 : memref<8x2048xf32, #tpu.memory_space<vmem>>[vector<16xi32>, vector<16xi32>], vector<16xf32>,
      %parallel_loop3A_127 = arith.constant 1 : i32
      %parallel_loop3A_128 = vector.broadcast %parallel_loop3A_127 : i32 to vector<16xi32>
      %parallel_loop3A_129 = arith.addi %parallel_loop3A_100, %parallel_loop3A_128 : vector<16xi32>
      %parallel_loop3A_130 = arith.cmpf oge, %parallel_loop3A_115, %parallel_loop3A_124 : vector<16xf32>
      %parallel_loop3A_131 = arith.select %parallel_loop3A_130, %parallel_loop3A_105, %broadcast_in_dim3A_6 : vector<16xi1>, vector<16xf32>
      tpu.vector_store_idx %arg7[%parallel_loop3A_82, %parallel_loop3A_129], %parallel_loop3A_131 : memref<8x2048xf32, #tpu.memory_space<vmem>>[vector<16xi32>, vector<16xi32>], vector<16xf32>,
      %parallel_loop3A_132 = arith.constant 2 : i32
      %parallel_loop3A_133 = vector.broadcast %parallel_loop3A_132 : i32 to vector<16xi32>
      %parallel_loop3A_134 = arith.addi %parallel_loop3A_100, %parallel_loop3A_133 : vector<16xi32>
      %parallel_loop3A_135 = arith.cmpf oge, %parallel_loop3A_116, %parallel_loop3A_124 : vector<16xf32>
      %parallel_loop3A_136 = arith.select %parallel_loop3A_135, %parallel_loop3A_109, %broadcast_in_dim3A_6 : vector<16xi1>, vector<16xf32>
      tpu.vector_store_idx %arg7[%parallel_loop3A_82, %parallel_loop3A_134], %parallel_loop3A_136 : memref<8x2048xf32, #tpu.memory_space<vmem>>[vector<16xi32>, vector<16xi32>], vector<16xf32>,
      %parallel_loop3A_137 = arith.constant 3 : i32
      %parallel_loop3A_138 = vector.broadcast %parallel_loop3A_137 : i32 to vector<16xi32>
      %parallel_loop3A_139 = arith.addi %parallel_loop3A_100, %parallel_loop3A_138 : vector<16xi32>
      %parallel_loop3A_140 = arith.cmpf oge, %parallel_loop3A_117, %parallel_loop3A_124 : vector<16xf32>
      %parallel_loop3A_141 = arith.select %parallel_loop3A_140, %parallel_loop3A_113, %broadcast_in_dim3A_6 : vector<16xi1>, vector<16xf32>
      tpu.vector_store_idx %arg7[%parallel_loop3A_82, %parallel_loop3A_139], %parallel_loop3A_141 : memref<8x2048xf32, #tpu.memory_space<vmem>>[vector<16xi32>, vector<16xi32>], vector<16xf32>,
    } {sc.loop_unroll_factor = 4 : i64, sc.parallel_access}
    %add3A_39 = arith.constant 504 : i32
    %add3A_40 = arith.addi %mul3A_2, %add3A_39 : i32
    %dma_start3A_41 = arith.constant 0 : i32
    %dma_start3A_42 = tpu.memref_slice %arg3[%add3A_40, %dma_start3A_41] : memref<16384x2048xf32, #tpu.memory_space<hbm>> -> memref<8x2048xf32, #tpu.memory_space<hbm>>
    %dma_start3A_43 = arith.constant 0 : i32
    %dma_start3A_44 = tpu.memref_slice %arg3[%add3A_40, %dma_start3A_43] : memref<16384x2048xf32, #tpu.memory_space<hbm>> -> memref<8x2048xf32, #tpu.memory_space<hbm>>
    tpu.enqueue_dma source(%arg7 : memref<8x2048xf32, #tpu.memory_space<vmem>>) target(%dma_start3A_44 : memref<8x2048xf32, #tpu.memory_space<hbm>>) target_semaphore(%arg13 : memref<!tpu.dma_semaphore, #tpu.memory_space<semaphore_mem>>)
    %dma_wait3A_45 = arith.constant 0 : i32
    %dma_wait3A_46 = tpu.memref_slice %arg3[%mul3A_2, %dma_wait3A_45] : memref<16384x2048xf32, #tpu.memory_space<hbm>> -> memref<8x2048xf32, #tpu.memory_space<hbm>>
    %dma_wait3A_47 = arith.constant 0 : i32
    %dma_wait3A_48 = tpu.memref_slice %arg3[%mul3A_2, %dma_wait3A_47] : memref<16384x2048xf32, #tpu.memory_space<hbm>> -> memref<8x2048xf32, #tpu.memory_space<hbm>>
    tpu.wait_dma2 semaphore(%arg13 : memref<!tpu.dma_semaphore, #tpu.memory_space<semaphore_mem>>) src(%arg7 : memref<8x2048xf32, #tpu.memory_space<vmem>>) dst(%dma_wait3A_48 : memref<8x2048xf32, #tpu.memory_space<hbm>>)
    %dma_wait3A_49 = arith.constant 0 : i32
    %dma_wait3A_50 = tpu.memref_slice %arg3[%mul3A_2, %dma_wait3A_49] : memref<16384x2048xf32, #tpu.memory_space<hbm>> -> memref<8x2048xf32, #tpu.memory_space<hbm>>
    %dma_wait3A_51 = arith.constant 0 : i32
    %dma_wait3A_52 = tpu.memref_slice %arg3[%mul3A_2, %dma_wait3A_51] : memref<16384x2048xf32, #tpu.memory_space<hbm>> -> memref<8x2048xf32, #tpu.memory_space<hbm>>
    tpu.wait_dma2 semaphore(%arg14 : memref<!tpu.dma_semaphore, #tpu.memory_space<semaphore_mem>>) src(%arg8 : memref<8x2048xf32, #tpu.memory_space<vmem>>) dst(%dma_wait3A_52 : memref<8x2048xf32, #tpu.memory_space<hbm>>)
    %dma_wait3A_53 = arith.constant 0 : i32
    %dma_wait3A_54 = tpu.memref_slice %arg3[%mul3A_2, %dma_wait3A_53] : memref<16384x2048xf32, #tpu.memory_space<hbm>> -> memref<8x2048xf32, #tpu.memory_space<hbm>>
    %dma_wait3A_55 = arith.constant 0 : i32
    %dma_wait3A_56 = tpu.memref_slice %arg3[%mul3A_2, %dma_wait3A_55] : memref<16384x2048xf32, #tpu.memory_space<hbm>> -> memref<8x2048xf32, #tpu.memory_space<hbm>>
    tpu.wait_dma2 semaphore(%arg15 : memref<!tpu.dma_semaphore, #tpu.memory_space<semaphore_mem>>) src(%arg9 : memref<8x2048xf32, #tpu.memory_space<vmem>>) dst(%dma_wait3A_56 : memref<8x2048xf32, #tpu.memory_space<hbm>>)
    return
  }
}

</mosaic_0001>

<sc_bundles>
// kernel: kernel.3.cloned.1.call-start
scs
__scs_entry_jumppad:
0x0: {  	(pc) =	sbr.rel $0x88, $3  }
0x1: {  	(tag) =	ssettag $0x0;
	lr =	simm.s32 $0x1  }
0x2: {  	[smem:$0x3FA0] =	sst lr;
	_ =	strace $0xD0000000  }
0x3: {  	_ = 	snop  }
0x4: {  	_ = 	snop  }
0x5: {  	_ = 	snop  }
0x6: {  	_ = 	snop  }
0x7: {  	_ = 	snop  }
__scs_overlays_trampoline_lowered:
0x8: {  	[smem:$0x3FAF] =	sst s0  }
0x9: {  	[smem:$0x3FB0] =	sst s1  }
0xa: {  	[smem:$0x3FB1] =	sst s2  }
0xb: {  	[smem:$0x3FB2] =	sst s3  }
0xc: {  	[smem:$0x3FB3] =	sst s4  }
0xd: {  	[smem:$0x3FB4] =	sst s5  }
0xe: {  	[smem:$0x3FB5] =	sst s6  }
0xf: {  	[smem:$0x3FB6] =	sst s7  }
0x10: {  	[smem:$0x3FB7] =	sst s8  }
0x11: {  	[smem:$0x3FB8] =	sst s9;
	s0 =	simm.s32 @!p0 $0x0  }
0x12: {  	s1 =	sld [smem:$0x3F9E];
	s0 =	simm.s32 @p0 $0x1  }
0x13: {  	[smem:$0x3FB9] =	sst s0;
	s0 =	simm.s32 @!p1 $0x0  }
0x14: {  	s2 =	sld [smem:$0x3F9D];
	s0 =	simm.s32 @p1 $0x1  }
0x15: {  	[smem:$0x3FBA] =	sst s0;
	s0 =	simm.s32 @!p2 $0x0  }
0x16: {  	s3 =	sld [smem:$0x3FDB];
	s0 =	simm.s32 @p2 $0x1  }
0x17: {  	s4 =	simm.s32 $0x1BF5;
	[smem:$0x3FBC] =	sst s0  }
0x18: {  	s0 =	sld [smem:$0x3F9F];
	_ =	swait.ge [sflag:s4], $0x0  }
0x19: {  	s7 =	sld [smem:$0x3FA0]  }
0x1a: {  	s8 =	sadd.s32 $0xFFFFE003, lr  }
0x1b: {  	s9 =	sadd.s32 $0xFFFFFEF7, lr;
	s5 =	simm.s32 $0xFFFFFFFF;
	p2 =	slt.u32 s8, $0xFFFFF086  }
0x1c: {  	p1 =	slt.u32 s9, $0xF7A;
	s5 =	simm.s32 @!p2 $0x0  }
0x1d: {  	s5 =	simm.s32 @p1 $0x1;
	p0 =	seq.s32 s7, s2  }
0x1e: {  	s7 =	smul.u32 @!p0 $0xF7A, s2;
	p2 =	seq.s32 @!p0 s5, $0x0  }
0x1f: {  	s9 =	smul.u32 $0xF7A, s1;
	s8 =	simm.s32 @!p0 $0x1BF5;
	p2 =	por !p2, p0  }
0x20: {  	[sflag:s8] =	ssyncset.s32 @!p0 $0xFFFFF086;
	s6 =	sadd.s32 @!p0 s3, s7;
	s7 =	simm.s32 @!p0 $0x108  }
0x21: {  	s3 =	sadd.s32 s3, s9;
	s6 =	sadd.s32 @!p0 $0x88, s6;
	s7 =	simm.s32 @p2 $0x1082  }
0x22: {  	[simem:s7], [sflag:s8] =	dma.local @!p0 [hbm:s6], $0xF7A  }
0x23: {  	s9 =	sor.u32 $0xD0000000, s2;
	s6 =	simm.s32 $0x108;
	_ =	swait.ge @!p0 [sflag:s8], $0x0  }
0x24: {  	s3 =	sadd.s32 $0x88, s3;
	s6 =	simm.s32 @!p1 $0x1082;
	[sflag:s4] =	ssyncset.s32 $0xFFFFF086  }
0x25: {  	[simem:s6], [sflag:s4] =	dma.local [hbm:s3], $0xF7A  }
0x26: {  	[smem:$0x3FA0] =	sst s1;
	(tag) =	ssettag s2;
	_ =	strace s9  }
0x27: {  	s1 =	sld [smem:$0x3FB0]  }
0x28: {  	s2 =	sld [smem:$0x3FB1]  }
0x29: {  	s4 =	sld [smem:$0x3FB3]  }
0x2a: {  	p0 =	seq.s32 s5, $0x0;
	s5 =	sld [smem:$0x3FB4]  }
0x2b: {  	s6 =	sld [smem:$0x3FB5]  }
0x2c: {  	s7 =	sld [smem:$0x3FB6]  }
0x2d: {  	s3 =	simm.s32 $0x108;
	s8 =	sld [smem:$0x3FB7]  }
0x2e: {  	s3 =	simm.s32 @!p0 $0x1082;
	s9 =	sld [smem:$0x3FB8]  }
0x2f: {  	lr =	sadd.s32 s0, s3;
	s0 =	sld [smem:$0x3FAF]  }
0x30: {  	s3 =	sld [smem:$0x3FB2]  }
0x31: {  	[smem:$0x3FBB] =	sst s10  }
0x32: {  	s10 =	sld [smem:$0x3FB9];
	_ =	sdelay $0x3  }
0x33: {  	p0 =	seq.s32 s10, $0x1;
	s10 =	sld [smem:$0x3FBB];
	_ =	sdelay $0x3  }
0x34: {  	[smem:$0x3FBB] =	sst s10  }
0x35: {  	s10 =	sld [smem:$0x3FBA];
	_ =	sdelay $0x3  }
0x36: {  	p1 =	seq.s32 s10, $0x1;
	s10 =	sld [smem:$0x3FBB];
	_ =	sdelay $0x3  }
0x37: {  	[smem:$0x3FBB] =	sst s10  }
0x38: {  	s10 =	sld [smem:$0x3FBC]  }
0x39: {  	_ = 	snop;
	(pc) =	sbr.ind lr, $3  }
0x3a: {  	_ = 	snop  }
0x3b: {  	_ = 	snop  }
0x3c: {  	p2 =	seq.s32 s10, $0x1;
	s10 =	sld [smem:$0x3FBB]  }
0x3d: {  	_ =	shalt  }
0x3e: {  	_ =	shalt  }
0x3f: {  	_ =	shalt  }
0x40: {  	_ =	shalt  }
0x41: {  	_ =	shalt  }
0x42: {  	_ =	shalt  }
0x43: {  	_ =	shalt  }
0x44: {  	_ =	shalt  }
0x45: {  	_ =	shalt  }
0x46: {  	_ =	shalt  }
0x47: {  	_ =	shalt  }
0x48: {  	_ =	shalt  }
0x49: {  	_ =	shalt  }
0x4a: {  	_ =	shalt  }
0x4b: {  	_ =	shalt  }
0x4c: {  	_ =	shalt  }
0x4d: {  	_ =	shalt  }
0x4e: {  	_ =	shalt  }
0x4f: {  	_ =	shalt  }
0x50: {  	_ =	shalt  }
0x51: {  	_ =	shalt  }
0x52: {  	_ =	shalt  }
0x53: {  	_ =	shalt  }
0x54: {  	_ =	shalt  }
0x55: {  	_ =	shalt  }
0x56: {  	_ =	shalt  }
0x57: {  	_ =	shalt  }
0x58: {  	_ =	shalt  }
0x59: {  	_ =	shalt  }
0x5a: {  	_ =	shalt  }
0x5b: {  	_ =	shalt  }
0x5c: {  	_ =	shalt  }
0x5d: {  	_ =	shalt  }
0x5e: {  	_ =	shalt  }
0x5f: {  	_ =	shalt  }
0x60: {  	_ =	shalt  }
0x61: {  	_ =	shalt  }
0x62: {  	_ =	shalt  }
0x63: {  	_ =	shalt  }
0x64: {  	_ =	shalt  }
0x65: {  	_ =	shalt  }
0x66: {  	_ =	shalt  }
0x67: {  	_ =	shalt  }
0x68: {  	_ =	shalt  }
0x69: {  	_ =	shalt  }
0x6a: {  	_ =	shalt  }
0x6b: {  	_ =	shalt  }
0x6c: {  	_ =	shalt  }
0x6d: {  	_ =	shalt  }
0x6e: {  	_ =	shalt  }
0x6f: {  	_ =	shalt  }
0x70: {  	_ =	shalt  }
0x71: {  	_ =	shalt  }
0x72: {  	_ =	shalt  }
0x73: {  	_ =	shalt  }
0x74: {  	_ =	shalt  }
0x75: {  	_ =	shalt  }
0x76: {  	_ =	shalt  }
0x77: {  	_ =	shalt  }
0x78: {  	_ =	shalt  }
0x79: {  	_ =	shalt  }
0x7a: {  	_ =	shalt  }
0x7b: {  	_ =	shalt  }
0x7c: {  	_ =	shalt  }
0x7d: {  	_ =	shalt  }
0x7e: {  	_ =	shalt  }
0x7f: {  	_ =	shalt  }
0x80: {  	_ =	shalt  }
0x81: {  	_ =	shalt  }
0x82: {  	_ =	shalt  }
0x83: {  	_ =	shalt  }
0x84: {  	_ =	shalt  }
0x85: {  	_ =	shalt  }
0x86: {  	_ =	shalt  }
0x87: {  	_ =	shalt  }
.Lfunc_end0:
.L_simem_size_0:
called_computation_lowered:
.L_overlay_start_0:
0x88: {  	s2 =	sld [smem:$0x3FD9]  }
0x89: {  	s3 =	sld [smem:$0x3FFE];
	_ =	sdelay $0x1  }
0x8a: {  	s1 =	srdreg.scid  }
0x8b: {  	s0 =	sand.u32 $0x1, s1  }
0x8c: {  	s18 =	sshll.u32 s0, $0xA;
	s2 =	sadd.s32 s3, s2  }
0x8d: {  	s2 =	sadd.s32 s2, s18  }
0x8e: {  	[smem:$0x3FC7] =	sst s2  }
0x8f: {  	_ = 	snop  }
0x90: {  	s2 =	sld [smem:$0x3FC9]  }
0x91: {  	s19 =	sld [smem:$0x3FD0];
	(tm) =	ssettm $0x1  }
0x92: {  	s4 =	sld [smem:$0x3FFB];
	_ =	sdelay $0x3  }
0x93: {  	_ =	strace s4  }
0x94: {  	s4 =	sld [smem:$0x3FFC];
	_ =	sdelay $0x3  }
0x95: {  	_ =	strace s4  }
0x96: {  	s4 =	sld [smem:$0x3FFD];
	_ =	sdelay $0x3  }
0x97: {  	_ =	strace s4  }
0x98: {  	_ =	strace $0x8FFFFFFF  }
0x99: {  	s20 =	sld [smem:$0x3FDB];
	_ =	sdelay $0x1  }
0x9a: {  	s5 =	simm.s32 $_scs_section_size  }
0x9b: {  	s6 =	simm.s32 $_size__tile_overlayer_lowered;
	s7 =	simm.s32 $_tile_overlayer_lowered  }
0x9c: {  	s23 =	simm.s32 $0x1BFF;
	s22 =	sshll.u32 s7, $0x1;
	s4 =	sadd.s32 s5, s20  }
0x9d: {  	s8 =	simm.s32 $0x0;
	s21 =	sshll.u32 s6, $0x1;
	s6 =	sadd.s32 s22, s4  }
0x9e: {  	[timem:s8], [sflag:s23] =	dma.local [hbm:s6], s21  }
0x9f: {  	_ =	swait.ge [sflag:s23], s21  }
0xa0: {  	s5 =	ssub.s32 $0x0, s21;
	[sflag:s23] =	ssyncset.done $0x0  }
0xa1: {  	[sflag:s23] =	ssyncadd.s32 s5;
	_ =	sdelay $0x1  }
0xa2: {  	s24 =	simm.s32 $0x1B8B  }
0xa3: {  	_ =	swait.ge [sflag:s24], $0x1  }
0xa4: {  	[sflag:s24] =	ssyncset.done $0x0  }
0xa5: {  	s25 =	simm.s32 $0x1B8E;
	[sflag:s24] =	ssyncadd.s32 $0xFFFFFFFF  }
0xa6: {  	s26 =	simm.s32 $execute0_lowered;
	[smem:$0x3FD2] =	sst s25  }
0xa7: {  	s5 =	sshll.u32 s26, $0x1;
	_ =	strace $0x80000046;
	[dreg:$0x1] =	wrdreg $0xFFFFFFFF  }
0xa8: {  	s28 =	simm.s32 $_size_execute0_lowered;
	s4 =	sadd.s32 s4, s5;
	[dreg:$0x0] =	wrdreg $0x0  }
0xa9: {  	s5 =	sshll.u32 s28, $0x1;
	[dreg:$0x2] =	wrdreg s4  }
0xaa: {  	[dreg:$0x3] =	wrdreg s5  }
0xab: {  	[dreg:$0x4] =	wrdreg $0xC0  }
0xac: {  	_ =	task [dreg:s8], $0x5FFFF  }
0xad: {  	[dreg:$0x1] =	wrdreg $0xFFFFFFFF  }
0xae: {  	[dreg:$0x0] =	wrdreg $0x60  }
0xaf: {  	[dreg:$0x2] =	wrdreg s2  }
0xb0: {  	[dreg:$0x3] =	wrdreg s19  }
0xb1: {  	[dreg:$0x4] =	wrdreg $0x9  }
0xb2: {  	_ =	task.clear_ibuf [dreg:s8], $0x5FFFF;
	_ =	strace $0x90000046  }
0xb3: {  	s29 =	simm.s32 $0x9;
	_ =	strace $0x80000048  }
0xb4: {  	_ =	swait.ge [sflag:s29], $0x1  }
0xb5: {  	[sflag:s29] =	ssyncadd.s32 $0xFFFFFFFF  }
0xb6: {  	_ =	strace $0x90000048  }
0xb7: {  	_ =	sfence  }
0xb8: {  	s30 =	sld [smem:$0x0];
	_ =	sdelay $0x2  }
0xb9: {  	s31 =	sshll.u32 s1, $0xD;
	s1 =	sshrl.u32 s1, $0x2  }
0xba: {  	s3 =	sand.u32 $0x4000, s31;
	s1 =	sadd.s32 s1, s30  }
0xbb: {  	s0 =	sor.u32 s3, s0;
	s1 =	sshll.u32 s1, $0x11  }
0xbc: {  	s0 =	sor.u32 s1, s0  }
0xbd: {  	s0 =	sadd.s32 $0x8F2B, s0  }
0xbe: {  	[sflag:s0] =	ssyncadd.remote.s32 $0x1  }
0xbf: {  	_ =	sfence.sel $0xFFFF  }
0xc0: {  	[dreg:$0x0] =	wrdreg $0xFFFFFFFF;
	(pc) =	sbr.abs _section_cstart, $3  }
0xc1: {  	[dreg:$0x1] =	wrdreg $0xFFFFFFFF  }
0xc2: {  	_ =	task.clear_ibuf [dreg:s8], $0x2FFFF;
	_ =	strace $0x9FFFFFFF  }
0xc3: {  	(tm) =	ssettm $0x7FFFFFFF  }
tec
execute0_lowered:
.L_overlay_start_1:
0x0: {  	(tag) =	ssettag $0x1  }
0x1: {  	s1 =	srdreg.scid;
	s2 =	rddreg [dreg:$0x0]  }
0x2: {  	s0 =	stileid.u32;
	s3 =	rddreg [dreg:$0x1]  }
0x3: {  	s4 =	simm.s32 $0x0;
	s16 =	simm.s32 $0x4000;
	s17 =	simm.s32 $0x8000  }
0x4: {  	s18 =	simm.s32 $0x1;
	s19 =	simm.s32 $0xC000;
	s20 =	simm.s32 $0x2  }
0x5: {  	s21 =	simm.s32 $0x10000;
	s22 =	simm.s32 $0x3;
	s23 =	simm.s32 $0x6  }
0x6: {  	s24 =	simm.s32 $0x14000;
	s25 =	simm.s32 $0x4;
	s26 =	simm.s32 $0x5  }
0x7: {  	s28 =	simm.s32 $0x0;
	s1 =	sand.u32 $0x1, s1;
	s5 =	sshll.u32 s0, $0xA  }
0x8: {  	[smem:$0x7FF] =	sst s4;
	s6 =	sshll.u32 s1, $0x9;
	s1 =	ssub.s32 $0x2, s1  }
0x9: {  	v0 =	vlaneseq.u32;
	_ =	strace $0x80000047;
	s5 =	sor.u32 s6, s5;
	s7 =	sshrl.u32 s1, $0x1  }
0xa: {  	v0 =	vmul.u32 $0x4, v0;
	s13 =	sshll.u32 s5, $0x8;
	s1 =	ssub.s32 s1, s7;
	s14 =	sshrl.u32 s5, $0x3  }
0xb: {  	s10 =	sor.u32 $0x8, s5;
	s12 =	sor.u32 $0x10, s5;
	s6 =	sadd.s32 s2, s13  }
0xc: {  	v1 =	vor.u32 $0x1, v0;
	s9 =	sor.u32 $0x3, s14;
	s11 =	sor.u32 $0x4, s14;
	s15 =	sadd.s32 s13, s3  }
0xd: {  	v2 =	vor.u32 $0x2, v0;
	v3 =	vor.u32 $0x3, v0;
	v4 =	vor.u32 $0x40, v0;
	s13 =	sor.u32 $0x5, s14;
	s31 =	sadd.s32 $0x800, s6;
	s8 =	sadd.s32 $0x1000, s6  }
0xe: {  	v5 =	vor.u32 $0x41, v0;
	v6 =	vor.u32 $0x42, v0;
	v7 =	vor.u32 $0x43, v0;
	s14 =	sadd.s32 $0x1F800, s15;
	s15 =	smax.u32 s1, $0x1;
	[dreg:$0x3] =	wrdreg s31  }
.LBB2_1:
0xf: {  	[tilespmem:s4], [sflag:$0x1] =	stream.linear.gather [hbm4b:s6+s4], $0x4000, $0x38;
	[tilespmem:$0x18000] =	vst v63  }
0x10: {  	s0 =	rddreg [dreg:$0x3]  }
0x11: {  	[tilespmem:s16], [sflag:$0x2] =	stream.linear.gather [hbm4b:s0+s4], $0x4000, $0x38;
	[tilespmem:$0x18000] =	vst v63  }
0x12: {  	s29 =	simm.s32 $0x0  }
0x13: {  	[tilespmem:s17], [sflag:$0x3] =	stream.linear.gather [hbm4b:s8+s4], $0x4000, $0x38;
	[tilespmem:$0x18000] =	vst v63  }
.LBB2_2:
0x14: {  	s1 =	simm.s32 $0x0;
	s30 =	simm.s32 $0x0  }
0x15: {  	s1 =	sand.u32 $0x700, s1;
	v8 =	vmov s30  }
0x16: {  	v8 =	vshll.u32 v8, $0x7;
	s30 =	sor.u32 $0x80, s1  }
0x17: {  	v12 =	vmov s1;
	v8 =	vand.u32 $0x380, v8;
	v9 =	vmov s30  }
0x18: {  	v12 =	vshll.u32 v12, $0x3;
	v10 =	vbroadcast v8, $0x0;
	v9 =	vshll.u32 v9, $0x3  }
0x19: {  	v15 =	vor.u32 v12, v8;
	v11 =	vbroadcast v9, $0x0  }
0x1a: {  	_ =	swait.ge [sflag:s18], $0x4000;
	v15 =	vbroadcast v15, $0x0;
	v13 =	vor.u32 v4, v10  }
0x1b: {  	p0 =	seq.s32 s29, $0x0;
	[sflag:s18] =	ssyncset.done $0x0;
	v12 =	vbroadcast v12, $0x0;
	v14 =	vor.u32 v11, v13  }
0x1c: {  	[sflag:s18] =	ssyncadd.s32 $0xFFFFC000;
	s1 =	simm.s32 @!p0 $0x4;
	v22 =	vor.u32 v0, v15  }
0x1d: {  	_ =	swait.ge @!p0 [sflag:s1], $0x4000;
	v8 =	vor.u32 v8, v9;
	v9 =	vor.u32 v10, v12;
	v26 =	vor.u32 v12, v13  }
0x1e: {  	[sflag:s1] =	ssyncset.done @!p0 $0x0;
	v29 =	vor.u32 v5, v9  }
0x1f: {  	[sflag:s1] =	ssyncadd.s32 @!p0 $0xFFFFC000;
	v11 =	vor.u32 v10, v11;
	v30 =	vor.u32 v6, v9  }
0x20: {  	v16 =	vor.u32 v5, v11;
	v18 =	vld.idx.msk [tilespmem:v14+s4+$0x0], $0xffff  }
0x21: {  	v8 =	vbroadcast v8, $0x0;
	v17 =	vor.u32 v6, v11;
	v20 =	vld.idx.msk [tilespmem:v22+s4+$0x0], $0xffff  }
0x22: {  	v11 =	vor.u32 v7, v11;
	v36 =	vld.idx.msk [tilespmem:v26+s4+$0x0], $0xffff  }
0x23: {  	v35 =	vor.u32 v0, v8;
	v37 =	vld.idx.msk [tilespmem:v29+s4+$0x0], $0xffff  }
0x24: {  	v34 =	vor.u32 v1, v8;
	v40 =	vld.idx.msk [tilespmem:v30+s4+$0x0], $0xffff  }
0x25: {  	v23 =	vor.u32 v1, v15;
	v33 =	vor.u32 v2, v8;
	v19 =	vld.idx.msk [tilespmem:v16+s4+$0x0], $0xffff  }
0x26: {  	v24 =	vor.u32 v2, v15;
	v25 =	vor.u32 v3, v15;
	v8 =	vor.u32 v3, v8;
	v15 =	vld.idx.msk [tilespmem:v17+s4+$0x0], $0xffff  }
0x27: {  	v10 =	vld.idx.msk [tilespmem:v11+s4+$0x0], $0xffff  }
0x28: {  	v45 =	vld.idx.msk [tilespmem:v35+s4+$0x0], $0xffff  }
0x29: {  	v47 =	vld.idx.msk [tilespmem:v34+s4+$0x0], $0xffff  }
0x2a: {  	v49 =	vld.idx.msk [tilespmem:v33+s4+$0x0], $0xffff  }
0x2b: {  	v51 =	vld.idx.msk [tilespmem:v8+s4+$0x0], $0xffff  }
0x2c: {  	v31 =	vor.u32 v7, v9;
	v9 =	vand.u32 $0x7FFFFFFF, v18  }
0x2d: {  	v43 =	vand.u32 $0x7FFFFFFF, v20;
	v48 =	vand.u32 $0x7FFFFFFF, v36;
	v50 =	vand.u32 $0x7FFFFFFF, v37  }
0x2e: {  	v27 =	vld.idx.msk [tilespmem:v23+s4+$0x0], $0xffff;
	v52 =	vand.u32 $0x7FFFFFFF, v40;
	v12 =	vand.u32 $0x7FFFFFFF, v19;
	v13 =	vand.u32 $0x7FFFFFFF, v15  }
0x2f: {  	v28 =	vld.idx.msk [tilespmem:v24+s4+$0x0], $0xffff;
	v21 =	vand.u32 $0x7FFFFFFF, v10;
	v53 =	vand.u32 $0x7FFFFFFF, v45;
	v54 =	vmin.f32 v48, v50  }
0x30: {  	v32 =	vld.idx.msk [tilespmem:v25+s4+$0x0], $0xffff;
	v55 =	vand.u32 $0x7FFFFFFF, v47;
	v58 =	vand.u32 $0x7FFFFFFF, v49;
	v59 =	vand.u32 $0x7FFFFFFF, v51  }
0x31: {  	v38 =	vmax.f32 v9, v12;
	v39 =	vmin.f32 v9, v12;
	v41 =	vmax.f32 v13, v21  }
0x32: {  	v44 =	vld.idx.msk [tilespmem:v31+s4+$0x0], $0xffff;
	v42 =	vmin.f32 v13, v21;
	v62 =	vmax.f32 v53, v55;
	v63 =	vmax.f32 v58, v59  }
0x33: {  	v60 =	vmin.f32 v58, v59;
	v38 =	vmin.f32 v38, v41;
	v39 =	vmax.f32 v39, v42  }
0x34: {  	v41 =	vand.u32 $0x7FFFFFFF, v27;
	v42 =	vand.u32 $0x7FFFFFFF, v28;
	v38 =	vmax.f32 v38, v39  }
0x35: {  	v39 =	vand.u32 $0x7FFFFFFF, v32;
	v46 =	vmax.f32 v43, v41;
	vm0 =	vge.f32 v9, v38  }
0x36: {  	vm11 =	vge.f32 v12, v38;
	vm12 =	vge.f32 v13, v38;
	vm13 =	vge.f32 v21, v38  }
0x37: {  	v38 =	vand.u32 $0x7FFFFFFF, v44;
	v21 =	vmax.f32 v48, v50;
	v9 =	vnsel vm0, $0x0, v18  }
0x38: {  	v12 =	vnsel vm11, $0x0, v19;
	v13 =	vnsel vm12, $0x0, v15;
	v15 =	vmin.f32 v43, v41  }
0x39: {  	v18 =	vmax.f32 v42, v39;
	v19 =	vmin.f32 v42, v39;
	v56 =	vmax.f32 v52, v38  }
0x3a: {  	v57 =	vmin.f32 v52, v38;
	v18 =	vmin.f32 v46, v18;
	v15 =	vmax.f32 v15, v19  }
0x3b: {  	s31 =	simm.s32 $0x100;
	v19 =	vmin.f32 v53, v55;
	v21 =	vmin.f32 v21, v56;
	v54 =	vmax.f32 v54, v57  }
0x3c: {  	s0 =	simm.s32 $0x0;
	s30 =	sand.u32 $0x700, s31;
	v15 =	vmax.f32 v18, v15;
	v18 =	vmin.f32 v62, v63;
	v19 =	vmax.f32 v19, v60  }
0x3d: {  	s7 =	sor.u32 $0x80, s30;
	v61 =	vmax.f32 v21, v54;
	v46 =	vmax.f32 v18, v19;
	v18 =	vmov s0  }
0x3e: {  	v21 =	vmov s7;
	vm14 =	vge.f32 v43, v15;
	v18 =	vshll.u32 v18, $0x7  }
0x3f: {  	vm2 =	vge.f32 v41, v15;
	vm1 =	vge.f32 v42, v15;
	v18 =	vand.u32 $0x380, v18  }
0x40: {  	v19 =	vmov s30;
	v21 =	vshll.u32 v21, $0x3;
	v62 =	vbroadcast v18, $0x0  }
0x41: {  	[tilespmem:v14+s19+$0x0] =	vst.idx.msk $0xffff, v9;
	vm3 =	vge.f32 v39, v15;
	v19 =	vshll.u32 v19, $0x3;
	v14 =	vbroadcast v21, $0x0  }
0x42: {  	[tilespmem:v16+s19+$0x0] =	vst.idx.msk $0xffff, v12;
	v15 =	vbroadcast v19, $0x0;
	v9 =	vor.u32 v19, v18;
	v19 =	vor.u32 v4, v62  }
0x43: {  	[tilespmem:v17+s19+$0x0] =	vst.idx.msk $0xffff, v13;
	v13 =	vor.u32 v62, v14;
	v39 =	vor.u32 v14, v19  }
0x44: {  	v10 =	vnsel vm13, $0x0, v10;
	vm4 =	vge.f32 v48, v61;
	v41 =	vor.u32 v5, v13  }
0x45: {  	vm5 =	vge.f32 v50, v61;
	v9 =	vbroadcast v9, $0x0;
	v54 =	vor.u32 v6, v13  }
0x46: {  	vm6 =	vge.f32 v52, v61;
	[tilespmem:v11+s19+$0x0] =	vst.idx.msk $0xffff, v10;
	v56 =	vor.u32 v7, v13  }
0x47: {  	vm9 =	vge.f32 v55, v46;
	v12 =	vor.u32 v18, v21;
	v18 =	vor.u32 v0, v9  }
0x48: {  	v55 =	vnsel vm14, $0x0, v20;
	vm10 =	vge.f32 v59, v46;
	v17 =	vor.u32 v1, v9;
	v57 =	vld.idx.msk [tilespmem:v39+s4+$0x0], $0xffff  }
0x49: {  	v59 =	vnsel vm4, $0x0, v36;
	[tilespmem:v22+s19+$0x0] =	vst.idx.msk $0xffff, v55;
	v63 =	vbroadcast v12, $0x0;
	v16 =	vor.u32 v2, v9;
	v42 =	vld.idx.msk [tilespmem:v41+s4+$0x0], $0xffff  }
0x4a: {  	v11 =	vor.u32 v62, v15;
	v12 =	vor.u32 v3, v9;
	v9 =	vor.u32 v15, v19;
	v48 =	vld.idx.msk [tilespmem:v54+s4+$0x0], $0xffff  }
0x4b: {  	v27 =	vnsel vm2, $0x0, v27;
	[tilespmem:v26+s19+$0x0] =	vst.idx.msk $0xffff, v59;
	v13 =	vor.u32 v7, v11;
	v50 =	vld.idx.msk [tilespmem:v56+s4+$0x0], $0xffff  }
0x4c: {  	v37 =	vnsel vm5, $0x0, v37;
	[tilespmem:v23+s19+$0x0] =	vst.idx.msk $0xffff, v27;
	v21 =	vor.u32 v2, v63;
	v20 =	vld.idx.msk [tilespmem:v18+s4+$0x0], $0xffff  }
0x4d: {  	vm7 =	vge.f32 v38, v61;
	v28 =	vnsel vm1, $0x0, v28;
	[tilespmem:v29+s19+$0x0] =	vst.idx.msk $0xffff, v37;
	v22 =	vld.idx.msk [tilespmem:v17+s4+$0x0], $0xffff  }
0x4e: {  	vm8 =	vge.f32 v53, v46;
	v32 =	vnsel vm3, $0x0, v32;
	[tilespmem:v24+s19+$0x0] =	vst.idx.msk $0xffff, v28;
	v23 =	vld.idx.msk [tilespmem:v16+s4+$0x0], $0xffff  }
0x4f: {  	v40 =	vnsel vm6, $0x0, v40;
	[tilespmem:v25+s19+$0x0] =	vst.idx.msk $0xffff, v32;
	v15 =	vor.u32 v5, v11;
	v25 =	vld.idx.msk [tilespmem:v9+s4+$0x0], $0xffff  }
0x50: {  	vm15 =	vge.f32 v58, v46;
	v52 =	vnsel vm7, $0x0, v44;
	v53 =	vnsel vm8, $0x0, v45;
	[tilespmem:v30+s19+$0x0] =	vst.idx.msk $0xffff, v40;
	v28 =	vld.idx.msk [tilespmem:v13+s4+$0x0], $0xffff  }
0x51: {  	v47 =	vnsel vm9, $0x0, v47;
	v55 =	vnsel vm15, $0x0, v49;
	v36 =	vnsel vm10, $0x0, v51;
	[tilespmem:v31+s19+$0x0] =	vst.idx.msk $0xffff, v52;
	v31 =	vld.idx.msk [tilespmem:v21+s4+$0x0], $0xffff  }
0x52: {  	v10 =	vor.u32 v6, v11;
	v14 =	vor.u32 v0, v63;
	v11 =	vor.u32 v1, v63  }
0x53: {  	v19 =	vor.u32 v3, v63;
	v24 =	vld.idx.msk [tilespmem:v12+s4+$0x0], $0xffff;
	v32 =	vand.u32 $0x7FFFFFFF, v57;
	v49 =	vand.u32 $0x7FFFFFFF, v42  }
0x54: {  	v26 =	vld.idx.msk [tilespmem:v15+s4+$0x0], $0xffff;
	v51 =	vand.u32 $0x7FFFFFFF, v48;
	v58 =	vand.u32 $0x7FFFFFFF, v50;
	v43 =	vand.u32 $0x7FFFFFFF, v20  }
0x55: {  	v46 =	vand.u32 $0x7FFFFFFF, v22;
	v45 =	vand.u32 $0x7FFFFFFF, v23;
	v37 =	vand.u32 $0x7FFFFFFF, v25  }
0x56: {  	[tilespmem:v35+s19+$0x0] =	vst.idx.msk $0xffff, v53;
	v40 =	vand.u32 $0x7FFFFFFF, v28;
	v35 =	vand.u32 $0x7FFFFFFF, v31;
	v60 =	vmax.f32 v32, v49  }
0x57: {  	v61 =	vmin.f32 v32, v49;
	v62 =	vmax.f32 v51, v58;
	v63 =	vmin.f32 v51, v58  }
0x58: {  	v30 =	vld.idx.msk [tilespmem:v11+s4+$0x0], $0xffff;
	v38 =	vmin.f32 v60, v62;
	v44 =	vmax.f32 v61, v63;
	v60 =	vmax.f32 v43, v46  }
0x59: {  	v27 =	vld.idx.msk [tilespmem:v10+s4+$0x0], $0xffff;
	v59 =	vmax.f32 v38, v44;
	v44 =	vand.u32 $0x7FFFFFFF, v24;
	v38 =	vand.u32 $0x7FFFFFFF, v26  }
0x5a: {  	v29 =	vld.idx.msk [tilespmem:v14+s4+$0x0], $0xffff;
	vm12 =	vge.f32 v32, v59;
	vm13 =	vge.f32 v49, v59;
	vm14 =	vge.f32 v51, v59  }
0x5b: {  	[tilespmem:v34+s19+$0x0] =	vst.idx.msk $0xffff, v47;
	vm15 =	vge.f32 v58, v59;
	v51 =	vmax.f32 v45, v44;
	v32 =	vnsel vm12, $0x0, v57  }
0x5c: {  	v61 =	vmin.f32 v37, v38;
	v52 =	vnsel vm13, $0x0, v42;
	v57 =	vnsel vm14, $0x0, v48;
	[tilespmem:v39+s19+$0x0] =	vst.idx.msk $0xffff, v32;
	v32 =	vld.idx.msk [tilespmem:v19+s4+$0x0], $0xffff  }
0x5d: {  	[tilespmem:v33+s19+$0x0] =	vst.idx.msk $0xffff, v55;
	v48 =	vmin.f32 v43, v46;
	v59 =	vnsel vm15, $0x0, v50;
	v42 =	vand.u32 $0x7FFFFFFF, v30  }
0x5e: {  	v53 =	vmin.f32 v60, v51;
	v39 =	vand.u32 $0x7FFFFFFF, v27;
	[tilespmem:v41+s19+$0x0] =	vst.idx.msk $0xffff, v52;
	v52 =	vmin.f32 v45, v44  }
0x5f: {  	v41 =	vand.u32 $0x7FFFFFFF, v29;
	v62 =	vmax.f32 v39, v40;
	v63 =	vmin.f32 v39, v40;
	[tilespmem:v54+s19+$0x0] =	vst.idx.msk $0xffff, v57  }
0x60: {  	v50 =	vmax.f32 v41, v42;
	v49 =	vmin.f32 v41, v42;
	v54 =	vmax.f32 v48, v52  }
0x61: {  	v52 =	vmax.f32 v61, v63;
	[tilespmem:v56+s19+$0x0] =	vst.idx.msk $0xffff, v59;
	v56 =	vmax.f32 v37, v38;
	v34 =	vand.u32 $0x7FFFFFFF, v32  }
0x62: {  	s30 =	smul.u32 $0x3, s29;
	v48 =	vmin.f32 v56, v62;
	v51 =	vmax.f32 v35, v34;
	v33 =	vmin.f32 v35, v34  }
.LBB2_3:
0x63: {  	s31 =	sadd.s32 $0x100, s31;
	v47 =	vmax.f32 v53, v54;
	v50 =	vmin.f32 v50, v51;
	v49 =	vmax.f32 v49, v33;
	v33 =	vmovc v21  }
0x64: {  	s1 =	sshrl.u32 s31, $0xB;
	vm0 =	vge.f32 v43, v47;
	v43 =	vmax.f32 v48, v52;
	v49 =	vmax.f32 v50, v49  }
0x65: {  	s0 =	sand.u32 $0x700, s31;
	vm1 =	vge.f32 v46, v47;
	vm2 =	vge.f32 v45, v47;
	v21 =	vmov s1;
	[tilespmem:v8+s19+$0x0] =	vst.idx.msk $0xffff, v36;
	v8 =	vmovc v19  }
0x66: {  	vm3 =	vge.f32 v44, v47;
	v19 =	vmov s0;
	s0 =	sor.u32 $0x80, s0;
	v21 =	vshll.u32 v21, $0x7  }
0x67: {  	v19 =	vshll.u32 v19, $0x3;
	v36 =	vmov s0;
	v21 =	vand.u32 $0x380, v21  }
0x68: {  	v36 =	vshll.u32 v36, $0x3;
	v44 =	vbroadcast v21, $0x0;
	v45 =	vor.u32 v19, v21  }
0x69: {  	p1 =	slt.u32 s31, $0x3F00;
	v19 =	vbroadcast v19, $0x0;
	v21 =	vor.u32 v21, v36;
	v36 =	vbroadcast v36, $0x0  }
0x6a: {  	v45 =	vbroadcast v45, $0x0;
	v50 =	vbroadcast v21, $0x0;
	v46 =	vor.u32 v4, v44  }
0x6b: {  	v21 =	vor.u32 v44, v19;
	v51 =	vor.u32 v36, v46;
	v36 =	vor.u32 v44, v36  }
0x6c: {  	v44 =	vor.u32 v0, v45;
	v52 =	vor.u32 v1, v45;
	v53 =	vor.u32 v5, v36  }
0x6d: {  	v54 =	vor.u32 v2, v45;
	v45 =	vor.u32 v3, v45;
	v55 =	vor.u32 v6, v36  }
0x6e: {  	v46 =	vor.u32 v19, v46;
	v56 =	vor.u32 v5, v21;
	v57 =	vor.u32 v7, v36  }
0x6f: {  	v58 =	vor.u32 v6, v21;
	v59 =	vor.u32 v7, v21;
	v48 =	vor.u32 v0, v50  }
0x70: {  	v47 =	vor.u32 v1, v50;
	v21 =	vor.u32 v2, v50;
	v19 =	vor.u32 v3, v50;
	v50 =	vld.idx.msk [tilespmem:v51+s4+$0x0], $0xffff  }
0x71: {  	vm4 =	vge.f32 v37, v43;
	vm5 =	vge.f32 v38, v43;
	vm6 =	vge.f32 v39, v43;
	v60 =	vld.idx.msk [tilespmem:v53+s4+$0x0], $0xffff  }
0x72: {  	vm7 =	vge.f32 v40, v43;
	vm8 =	vge.f32 v41, v49;
	vm9 =	vge.f32 v42, v49;
	v61 =	vld.idx.msk [tilespmem:v55+s4+$0x0], $0xffff  }
0x73: {  	vm10 =	vge.f32 v34, v49;
	v36 =	vnsel vm0, $0x0, v20;
	vm0 =	vge.f32 v35, v49;
	v41 =	vld.idx.msk [tilespmem:v57+s4+$0x0], $0xffff  }
0x74: {  	v34 =	vnsel vm1, $0x0, v22;
	v35 =	vnsel vm2, $0x0, v23;
	v20 =	vld.idx.msk [tilespmem:v44+s4+$0x0], $0xffff;
	[tilespmem:v18+s19+$0x0] =	vst.idx.msk $0xffff, v36;
	v36 =	vnsel vm3, $0x0, v24;
	v18 =	vmovc v44  }
0x75: {  	v37 =	vnsel vm5, $0x0, v26;
	v38 =	vnsel vm6, $0x0, v27;
	v22 =	vld.idx.msk [tilespmem:v52+s4+$0x0], $0xffff;
	[tilespmem:v17+s19+$0x0] =	vst.idx.msk $0xffff, v34;
	v34 =	vnsel vm4, $0x0, v25;
	v17 =	vmovc v52  }
0x76: {  	v49 =	vnsel vm8, $0x0, v29;
	v52 =	vnsel vm9, $0x0, v30;
	v23 =	vld.idx.msk [tilespmem:v54+s4+$0x0], $0xffff;
	[tilespmem:v16+s19+$0x0] =	vst.idx.msk $0xffff, v35;
	v35 =	vnsel vm7, $0x0, v28;
	v16 =	vmovc v54  }
0x77: {  	v54 =	vnsel vm0, $0x0, v31;
	v24 =	vld.idx.msk [tilespmem:v45+s4+$0x0], $0xffff;
	[tilespmem:v12+s19+$0x0] =	vst.idx.msk $0xffff, v36;
	v36 =	vnsel vm10, $0x0, v32;
	v12 =	vmov v45  }
0x78: {  	v31 =	vand.u32 $0x7FFFFFFF, v50;
	v32 =	vand.u32 $0x7FFFFFFF, v60;
	v25 =	vld.idx.msk [tilespmem:v46+s4+$0x0], $0xffff;
	[tilespmem:v9+s19+$0x0] =	vst.idx.msk $0xffff, v34;
	v9 =	vmov v46  }
0x79: {  	v34 =	vand.u32 $0x7FFFFFFF, v61;
	v40 =	vand.u32 $0x7FFFFFFF, v41;
	v29 =	vmax.f32 v31, v32;
	v26 =	vld.idx.msk [tilespmem:v56+s4+$0x0], $0xffff;
	[tilespmem:v15+s19+$0x0] =	vst.idx.msk $0xffff, v37  }
0x7a: {  	v39 =	vmin.f32 v31, v32;
	v30 =	vmax.f32 v34, v40;
	v37 =	vmin.f32 v34, v40;
	v27 =	vld.idx.msk [tilespmem:v58+s4+$0x0], $0xffff  }
0x7b: {  	v43 =	vand.u32 $0x7FFFFFFF, v20;
	v15 =	vmovc v56;
	v30 =	vmin.f32 v29, v30;
	v37 =	vmax.f32 v39, v37;
	v28 =	vld.idx.msk [tilespmem:v59+s4+$0x0], $0xffff  }
0x7c: {  	v46 =	vand.u32 $0x7FFFFFFF, v22;
	v45 =	vand.u32 $0x7FFFFFFF, v23;
	v42 =	vmax.f32 v30, v37;
	v29 =	vld.idx.msk [tilespmem:v48+s4+$0x0], $0xffff;
	[tilespmem:v10+s19+$0x0] =	vst.idx.msk $0xffff, v38  }
0x7d: {  	v56 =	vmax.f32 v43, v46;
	v44 =	vand.u32 $0x7FFFFFFF, v24;
	vm0 =	vge.f32 v31, v42;
	v10 =	vmovc v58;
	v30 =	vld.idx.msk [tilespmem:v47+s4+$0x0], $0xffff  }
0x7e: {  	v37 =	vand.u32 $0x7FFFFFFF, v25;
	v39 =	vnsel vm0, $0x0, v50;
	vm0 =	vge.f32 v32, v42;
	v31 =	vld.idx.msk [tilespmem:v21+s4+$0x0], $0xffff;
	[tilespmem:v13+s19+$0x0] =	vst.idx.msk $0xffff, v35  }
0x7f: {  	v38 =	vand.u32 $0x7FFFFFFF, v26;
	v35 =	vnsel vm0, $0x0, v60;
	vm0 =	vge.f32 v34, v42;
	v32 =	vld.idx.msk [tilespmem:v19+s4+$0x0], $0xffff;
	[tilespmem:v51+s19+$0x0] =	vst.idx.msk $0xffff, v39  }
0x80: {  	v13 =	vmovc v59;
	v39 =	vand.u32 $0x7FFFFFFF, v27;
	v34 =	vnsel vm0, $0x0, v61;
	vm0 =	vge.f32 v40, v42;
	[tilespmem:v53+s19+$0x0] =	vst.idx.msk $0xffff, v35  }
0x81: {  	v58 =	vmin.f32 v43, v46;
	v40 =	vand.u32 $0x7FFFFFFF, v28;
	[tilespmem:v55+s19+$0x0] =	vst.idx.msk $0xffff, v34;
	v34 =	vnsel vm0, $0x0, v41  }
0x82: {  	v51 =	vmax.f32 v45, v44;
	v55 =	vmin.f32 v45, v44;
	v41 =	vand.u32 $0x7FFFFFFF, v29;
	[tilespmem:v57+s19+$0x0] =	vst.idx.msk $0xffff, v34  }
.Ltmp0:
0x83: {  	v59 =	vmin.f32 v37, v38;
	v57 =	vmax.f32 v37, v38;
	v42 =	vand.u32 $0x7FFFFFFF, v30;
	[tilespmem:v14+s19+$0x0] =	vst.idx.msk $0xffff, v49;
	(pc) =	sbr.rel @p1 .LBB2_3-.Ltmp0, $4  }
0x84: {  	v60 =	vmax.f32 v39, v40;
	v61 =	vmin.f32 v39, v40;
	v35 =	vand.u32 $0x7FFFFFFF, v31;
	[tilespmem:v11+s19+$0x0] =	vst.idx.msk $0xffff, v52  }
0x85: {  	v50 =	vmax.f32 v41, v42;
	v49 =	vmin.f32 v41, v42;
	v34 =	vand.u32 $0x7FFFFFFF, v32;
	[tilespmem:v33+s19+$0x0] =	vst.idx.msk $0xffff, v54  }
0x86: {  	v53 =	vmin.f32 v56, v51;
	v14 =	vmovc v48;
	v51 =	vmax.f32 v35, v34;
	v33 =	vmin.f32 v35, v34  }
0x87: {  	v48 =	vmin.f32 v57, v60;
	v52 =	vmax.f32 v59, v61;
	v11 =	vmovc v47;
	v54 =	vmax.f32 v58, v55  }
0x88: {  	_ =	sdelay $0x1  }
0x89: {  	v47 =	vmax.f32 v53, v54  }
0x8a: {  	vm0 =	vge.f32 v43, v47  }
0x8b: {  	[tilespmem:v8+s19+$0x0] =	vst.idx.msk $0xffff, v36;
	vm1 =	vge.f32 v46, v47;
	v8 =	vnsel vm0, $0x0, v20  }
0x8c: {  	vm11 =	vge.f32 v45, v47;
	[tilespmem:v18+s19+$0x0] =	vst.idx.msk $0xffff, v8;
	v8 =	vnsel vm1, $0x0, v22  }
0x8d: {  	vm12 =	vge.f32 v44, v47;
	v20 =	vnsel vm11, $0x0, v23;
	v18 =	vmax.f32 v48, v52;
	[tilespmem:v17+s19+$0x0] =	vst.idx.msk $0xffff, v8  }
0x8e: {  	vm13 =	vge.f32 v37, v18;
	v8 =	vnsel vm12, $0x0, v24;
	[tilespmem:v16+s19+$0x0] =	vst.idx.msk $0xffff, v20  }
0x8f: {  	vm14 =	vge.f32 v38, v18;
	vm15 =	vge.f32 v39, v18;
	v17 =	vnsel vm13, $0x0, v25;
	[tilespmem:v12+s19+$0x0] =	vst.idx.msk $0xffff, v8  }
0x90: {  	v16 =	vmin.f32 v50, v51;
	v8 =	vmax.f32 v49, v33;
	v12 =	vnsel vm14, $0x0, v26;
	[tilespmem:v9+s19+$0x0] =	vst.idx.msk $0xffff, v17  }
0x91: {  	vm4 =	vge.f32 v40, v18;
	v9 =	vnsel vm15, $0x0, v27;
	v8 =	vmax.f32 v16, v8;
	[tilespmem:v15+s19+$0x0] =	vst.idx.msk $0xffff, v12  }
0x92: {  	v12 =	vnsel vm4, $0x0, v28;
	vm5 =	vge.f32 v41, v8;
	[tilespmem:v10+s19+$0x0] =	vst.idx.msk $0xffff, v9  }
0x93: {  	s31 =	smul.u32 $0x18, s29;
	vm6 =	vge.f32 v42, v8;
	v9 =	vnsel vm5, $0x0, v29;
	[tilespmem:v13+s19+$0x0] =	vst.idx.msk $0xffff, v12  }
0x94: {  	vm7 =	vge.f32 v35, v8;
	v10 =	vnsel vm6, $0x0, v30;
	[tilespmem:v14+s19+$0x0] =	vst.idx.msk $0xffff, v9  }
0x95: {  	s0 =	sadd.s32 s5, s31;
	vm8 =	vge.f32 v34, v8;
	v8 =	vnsel vm7, $0x0, v31;
	[tilespmem:v11+s19+$0x0] =	vst.idx.msk $0xffff, v10  }
0x96: {  	s0 =	sshll.u32 s0, $0x8;
	v9 =	vnsel vm8, $0x0, v32;
	[tilespmem:v21+s19+$0x0] =	vst.idx.msk $0xffff, v8  }
0x97: {  	s7 =	simm.s32 $0x0;
	s1 =	simm.s32 $0x0;
	s0 =	sadd.s32 s3, s0;
	[tilespmem:v19+s19+$0x0] =	vst.idx.msk $0xffff, v9  }
0x98: {  	v8 =	vmov s1;
	[hbm4b:s0+s4] =	stream.linear.scatter [tilespmem:s19], [sflag:$0x4], $0x4000, $0x38;
	[tilespmem:$0x18000] =	vst v63  }
0x99: {  	s1 =	sadd.s32 s30, s9;
	v8 =	vshll.u32 v8, $0x7;
	s0 =	sand.u32 $0x700, s7  }
0x9a: {  	s1 =	sshll.u32 s1, $0xB;
	v8 =	vand.u32 $0x380, v8;
	s7 =	sor.u32 $0x80, s0;
	v12 =	vmov s0  }
0x9b: {  	s1 =	sadd.s32 s2, s1;
	v10 =	vbroadcast v8, $0x0;
	v9 =	vmov s7;
	v12 =	vshll.u32 v12, $0x3  }
0x9c: {  	[tilespmem:s4], [sflag:$0x1] =	stream.linear.gather [hbm4b:s1+s4], $0x4000, $0x38;
	v9 =	vshll.u32 v9, $0x3;
	v15 =	vor.u32 v12, v8;
	v12 =	vbroadcast v12, $0x0;
	[tilespmem:$0x18000] =	vst v63  }
0x9d: {  	_ =	swait.ge [sflag:s20], $0x4000;
	v13 =	vor.u32 v4, v10;
	v11 =	vbroadcast v9, $0x0  }
0x9e: {  	[sflag:s20] =	ssyncset.done $0x0;
	v15 =	vbroadcast v15, $0x0;
	v26 =	vor.u32 v12, v13  }
0x9f: {  	s0 =	simm.s32 @!p0 $0x5;
	[sflag:s20] =	ssyncadd.s32 $0xFFFFC000;
	v14 =	vor.u32 v11, v13  }
0xa0: {  	_ =	swait.ge @!p0 [sflag:s0], $0x4000;
	v22 =	vor.u32 v0, v15  }
0xa1: {  	v23 =	vor.u32 v1, v15;
	[sflag:s0] =	ssyncset.done @!p0 $0x0  }
0xa2: {  	v8 =	vor.u32 v8, v9;
	v9 =	vor.u32 v10, v12;
	v24 =	vor.u32 v2, v15;
	[sflag:s0] =	ssyncadd.s32 @!p0 $0xFFFFC000  }
0xa3: {  	v29 =	vor.u32 v5, v9;
	v36 =	vld.idx.msk [tilespmem:v26+s16+$0x0], $0xffff  }
0xa4: {  	v11 =	vor.u32 v10, v11;
	v30 =	vor.u32 v6, v9;
	v18 =	vld.idx.msk [tilespmem:v14+s16+$0x0], $0xffff  }
0xa5: {  	v16 =	vor.u32 v5, v11;
	v20 =	vld.idx.msk [tilespmem:v22+s16+$0x0], $0xffff  }
0xa6: {  	v8 =	vbroadcast v8, $0x0;
	v17 =	vor.u32 v6, v11;
	v27 =	vld.idx.msk [tilespmem:v23+s16+$0x0], $0xffff  }
0xa7: {  	v11 =	vor.u32 v7, v11;
	v28 =	vld.idx.msk [tilespmem:v24+s16+$0x0], $0xffff  }
0xa8: {  	v35 =	vor.u32 v0, v8;
	v37 =	vld.idx.msk [tilespmem:v29+s16+$0x0], $0xffff  }
0xa9: {  	v34 =	vor.u32 v1, v8;
	v40 =	vld.idx.msk [tilespmem:v30+s16+$0x0], $0xffff  }
0xaa: {  	v25 =	vor.u32 v3, v15;
	v19 =	vld.idx.msk [tilespmem:v16+s16+$0x0], $0xffff  }
0xab: {  	v33 =	vor.u32 v2, v8;
	v15 =	vld.idx.msk [tilespmem:v17+s16+$0x0], $0xffff  }
0xac: {  	v8 =	vor.u32 v3, v8;
	v10 =	vld.idx.msk [tilespmem:v11+s16+$0x0], $0xffff  }
0xad: {  	v45 =	vld.idx.msk [tilespmem:v35+s16+$0x0], $0xffff  }
0xae: {  	v31 =	vor.u32 v7, v9;
	v47 =	vld.idx.msk [tilespmem:v34+s16+$0x0], $0xffff;
	v48 =	vand.u32 $0x7FFFFFFF, v36  }
0xaf: {  	v32 =	vld.idx.msk [tilespmem:v25+s16+$0x0], $0xffff;
	v9 =	vand.u32 $0x7FFFFFFF, v18;
	v43 =	vand.u32 $0x7FFFFFFF, v20;
	v41 =	vand.u32 $0x7FFFFFFF, v27  }
0xb0: {  	v49 =	vld.idx.msk [tilespmem:v33+s16+$0x0], $0xffff;
	v42 =	vand.u32 $0x7FFFFFFF, v28;
	v50 =	vand.u32 $0x7FFFFFFF, v37;
	v52 =	vand.u32 $0x7FFFFFFF, v40  }
0xb1: {  	v51 =	vld.idx.msk [tilespmem:v8+s16+$0x0], $0xffff;
	v12 =	vand.u32 $0x7FFFFFFF, v19;
	v13 =	vand.u32 $0x7FFFFFFF, v15;
	v21 =	vand.u32 $0x7FFFFFFF, v10  }
0xb2: {  	v60 =	vmax.f32 v43, v41;
	v53 =	vand.u32 $0x7FFFFFFF, v45;
	v61 =	vmin.f32 v48, v50  }
0xb3: {  	v44 =	vld.idx.msk [tilespmem:v31+s16+$0x0], $0xffff;
	v55 =	vand.u32 $0x7FFFFFFF, v47;
	v56 =	vmax.f32 v9, v12;
	v57 =	vmin.f32 v9, v12  }
0xb4: {  	v58 =	vmax.f32 v13, v21;
	v59 =	vmin.f32 v13, v21;
	v62 =	vmax.f32 v53, v55  }
0xb5: {  	v38 =	vmin.f32 v56, v58;
	v39 =	vmax.f32 v57, v59;
	v58 =	vand.u32 $0x7FFFFFFF, v49  }
0xb6: {  	v59 =	vand.u32 $0x7FFFFFFF, v51;
	v38 =	vmax.f32 v38, v39;
	v39 =	vand.u32 $0x7FFFFFFF, v32  }
0xb7: {  	v63 =	vmax.f32 v58, v59;
	vm9 =	vge.f32 v9, v38;
	vm10 =	vge.f32 v12, v38  }
0xb8: {  	vm11 =	vge.f32 v13, v38;
	vm12 =	vge.f32 v21, v38;
	v38 =	vand.u32 $0x7FFFFFFF, v44  }
0xb9: {  	v21 =	vmax.f32 v48, v50;
	v9 =	vnsel vm9, $0x0, v18;
	v12 =	vnsel vm10, $0x0, v19  }
0xba: {  	v13 =	vnsel vm11, $0x0, v15;
	v15 =	vmin.f32 v43, v41;
	v18 =	vmax.f32 v42, v39  }
0xbb: {  	v19 =	vmin.f32 v42, v39;
	v56 =	vmax.f32 v52, v38;
	v57 =	vmin.f32 v52, v38  }
0xbc: {  	v18 =	vmin.f32 v60, v18;
	v15 =	vmax.f32 v15, v19;
	v19 =	vmin.f32 v53, v55  }
0xbd: {  	v21 =	vmin.f32 v21, v56;
	v54 =	vmax.f32 v61, v57;
	v60 =	vmin.f32 v58, v59  }
0xbe: {  	s1 =	simm.s32 $0x100;
	s0 =	simm.s32 $0x0;
	v15 =	vmax.f32 v18, v15;
	v18 =	vmin.f32 v62, v63;
	v19 =	vmax.f32 v19, v60  }
0xbf: {  	s7 =	sand.u32 $0x700, s1;
	v61 =	vmax.f32 v21, v54;
	v46 =	vmax.f32 v18, v19;
	v18 =	vmov s0  }
0xc0: {  	vm13 =	vge.f32 v43, v15;
	vm2 =	vge.f32 v41, v15;
	s0 =	sor.u32 $0x80, s7;
	v18 =	vshll.u32 v18, $0x7  }
0xc1: {  	vm14 =	vge.f32 v42, v15;
	v21 =	vmov s0;
	v18 =	vand.u32 $0x380, v18  }
0xc2: {  	v19 =	vmov s7;
	v21 =	vshll.u32 v21, $0x3;
	v62 =	vbroadcast v18, $0x0  }
0xc3: {  	[tilespmem:v14+s21+$0x0] =	vst.idx.msk $0xffff, v9;
	vm3 =	vge.f32 v39, v15;
	v19 =	vshll.u32 v19, $0x3;
	v14 =	vbroadcast v21, $0x0  }
0xc4: {  	[tilespmem:v16+s21+$0x0] =	vst.idx.msk $0xffff, v12;
	v15 =	vbroadcast v19, $0x0;
	v9 =	vor.u32 v19, v18;
	v19 =	vor.u32 v4, v62  }
0xc5: {  	[tilespmem:v17+s21+$0x0] =	vst.idx.msk $0xffff, v13;
	v13 =	vor.u32 v62, v14;
	v39 =	vor.u32 v14, v19  }
0xc6: {  	v10 =	vnsel vm12, $0x0, v10;
	vm4 =	vge.f32 v48, v61;
	v41 =	vor.u32 v5, v13  }
0xc7: {  	vm5 =	vge.f32 v50, v61;
	v9 =	vbroadcast v9, $0x0;
	v54 =	vor.u32 v6, v13  }
0xc8: {  	vm6 =	vge.f32 v52, v61;
	[tilespmem:v11+s21+$0x0] =	vst.idx.msk $0xffff, v10;
	v56 =	vor.u32 v7, v13  }
0xc9: {  	vm9 =	vge.f32 v55, v46;
	v12 =	vor.u32 v18, v21;
	v18 =	vor.u32 v0, v9  }
0xca: {  	v55 =	vnsel vm13, $0x0, v20;
	vm10 =	vge.f32 v59, v46;
	v17 =	vor.u32 v1, v9;
	v57 =	vld.idx.msk [tilespmem:v39+s16+$0x0], $0xffff  }
0xcb: {  	v59 =	vnsel vm4, $0x0, v36;
	[tilespmem:v22+s21+$0x0] =	vst.idx.msk $0xffff, v55;
	v63 =	vbroadcast v12, $0x0;
	v16 =	vor.u32 v2, v9;
	v42 =	vld.idx.msk [tilespmem:v41+s16+$0x0], $0xffff  }
0xcc: {  	v11 =	vor.u32 v62, v15;
	v12 =	vor.u32 v3, v9;
	v9 =	vor.u32 v15, v19;
	v48 =	vld.idx.msk [tilespmem:v54+s16+$0x0], $0xffff  }
0xcd: {  	v27 =	vnsel vm2, $0x0, v27;
	[tilespmem:v26+s21+$0x0] =	vst.idx.msk $0xffff, v59;
	v13 =	vor.u32 v7, v11;
	v50 =	vld.idx.msk [tilespmem:v56+s16+$0x0], $0xffff  }
0xce: {  	v37 =	vnsel vm5, $0x0, v37;
	[tilespmem:v23+s21+$0x0] =	vst.idx.msk $0xffff, v27;
	v21 =	vor.u32 v2, v63;
	v20 =	vld.idx.msk [tilespmem:v18+s16+$0x0], $0xffff  }
0xcf: {  	vm7 =	vge.f32 v38, v61;
	v28 =	vnsel vm14, $0x0, v28;
	[tilespmem:v29+s21+$0x0] =	vst.idx.msk $0xffff, v37;
	v22 =	vld.idx.msk [tilespmem:v17+s16+$0x0], $0xffff  }
0xd0: {  	vm8 =	vge.f32 v53, v46;
	v32 =	vnsel vm3, $0x0, v32;
	[tilespmem:v24+s21+$0x0] =	vst.idx.msk $0xffff, v28;
	v23 =	vld.idx.msk [tilespmem:v16+s16+$0x0], $0xffff  }
0xd1: {  	vm15 =	vge.f32 v58, v46;
	v40 =	vnsel vm6, $0x0, v40;
	[tilespmem:v25+s21+$0x0] =	vst.idx.msk $0xffff, v32;
	v25 =	vld.idx.msk [tilespmem:v9+s16+$0x0], $0xffff  }
0xd2: {  	v46 =	vnsel vm7, $0x0, v44;
	v52 =	vnsel vm8, $0x0, v45;
	[tilespmem:v30+s21+$0x0] =	vst.idx.msk $0xffff, v40;
	v15 =	vor.u32 v5, v11;
	v28 =	vld.idx.msk [tilespmem:v13+s16+$0x0], $0xffff  }
0xd3: {  	v53 =	vnsel vm9, $0x0, v47;
	v55 =	vnsel vm15, $0x0, v49;
	v36 =	vnsel vm10, $0x0, v51;
	[tilespmem:v31+s21+$0x0] =	vst.idx.msk $0xffff, v46;
	v31 =	vld.idx.msk [tilespmem:v21+s16+$0x0], $0xffff  }
0xd4: {  	v10 =	vor.u32 v6, v11;
	v14 =	vor.u32 v0, v63;
	v11 =	vor.u32 v1, v63  }
0xd5: {  	v19 =	vor.u32 v3, v63;
	v32 =	vand.u32 $0x7FFFFFFF, v57;
	v49 =	vand.u32 $0x7FFFFFFF, v42  }
0xd6: {  	v24 =	vld.idx.msk [tilespmem:v12+s16+$0x0], $0xffff;
	v51 =	vand.u32 $0x7FFFFFFF, v48;
	v58 =	vand.u32 $0x7FFFFFFF, v50;
	v43 =	vand.u32 $0x7FFFFFFF, v20  }
0xd7: {  	v26 =	vld.idx.msk [tilespmem:v15+s16+$0x0], $0xffff;
	v47 =	vand.u32 $0x7FFFFFFF, v22;
	v45 =	vand.u32 $0x7FFFFFFF, v23;
	v37 =	vand.u32 $0x7FFFFFFF, v25  }
0xd8: {  	[tilespmem:v35+s21+$0x0] =	vst.idx.msk $0xffff, v52;
	v40 =	vand.u32 $0x7FFFFFFF, v28;
	v35 =	vand.u32 $0x7FFFFFFF, v31;
	v60 =	vmax.f32 v32, v49  }
0xd9: {  	v61 =	vmin.f32 v32, v49;
	v62 =	vmax.f32 v51, v58;
	v63 =	vmin.f32 v51, v58  }
0xda: {  	v27 =	vld.idx.msk [tilespmem:v10+s16+$0x0], $0xffff;
	v46 =	vmin.f32 v43, v47;
	v38 =	vmin.f32 v60, v62;
	v44 =	vmax.f32 v61, v63  }
0xdb: {  	v30 =	vld.idx.msk [tilespmem:v11+s16+$0x0], $0xffff;
	v60 =	vmax.f32 v43, v47;
	v59 =	vmax.f32 v38, v44;
	v44 =	vand.u32 $0x7FFFFFFF, v24  }
0xdc: {  	v29 =	vld.idx.msk [tilespmem:v14+s16+$0x0], $0xffff;
	v38 =	vand.u32 $0x7FFFFFFF, v26;
	vm12 =	vge.f32 v32, v59;
	vm13 =	vge.f32 v49, v59  }
0xdd: {  	[tilespmem:v34+s21+$0x0] =	vst.idx.msk $0xffff, v53;
	vm14 =	vge.f32 v51, v59;
	vm15 =	vge.f32 v58, v59;
	v32 =	vnsel vm12, $0x0, v57  }
0xde: {  	v61 =	vmin.f32 v37, v38;
	v49 =	vnsel vm13, $0x0, v42;
	v57 =	vnsel vm14, $0x0, v48;
	[tilespmem:v39+s21+$0x0] =	vst.idx.msk $0xffff, v32;
	v32 =	vld.idx.msk [tilespmem:v19+s16+$0x0], $0xffff  }
0xdf: {  	[tilespmem:v33+s21+$0x0] =	vst.idx.msk $0xffff, v55;
	v59 =	vnsel vm15, $0x0, v50;
	v48 =	vmax.f32 v45, v44;
	v39 =	vand.u32 $0x7FFFFFFF, v27  }
0xe0: {  	v42 =	vand.u32 $0x7FFFFFFF, v30;
	v53 =	vmin.f32 v60, v48;
	[tilespmem:v41+s21+$0x0] =	vst.idx.msk $0xffff, v49;
	v62 =	vmax.f32 v39, v40  }
0xe1: {  	v41 =	vand.u32 $0x7FFFFFFF, v29;
	v63 =	vmin.f32 v39, v40;
	[tilespmem:v54+s21+$0x0] =	vst.idx.msk $0xffff, v57;
	v54 =	vmin.f32 v45, v44  }
0xe2: {  	v50 =	vmax.f32 v41, v42;
	v49 =	vmin.f32 v41, v42;
	v52 =	vmax.f32 v61, v63  }
0xe3: {  	[tilespmem:v56+s21+$0x0] =	vst.idx.msk $0xffff, v59;
	v56 =	vmax.f32 v37, v38;
	v54 =	vmax.f32 v46, v54;
	v34 =	vand.u32 $0x7FFFFFFF, v32  }
0xe4: {  	v48 =	vmin.f32 v56, v62;
	v51 =	vmax.f32 v35, v34;
	v33 =	vmin.f32 v35, v34  }
.LBB2_5:
0xe5: {  	s1 =	sadd.s32 $0x100, s1;
	v46 =	vmax.f32 v53, v54;
	v50 =	vmin.f32 v50, v51;
	v49 =	vmax.f32 v49, v33;
	v33 =	vmovc v21  }
0xe6: {  	s0 =	sshrl.u32 s1, $0xB;
	vm0 =	vge.f32 v43, v46;
	v43 =	vmax.f32 v48, v52;
	v49 =	vmax.f32 v50, v49  }
0xe7: {  	s7 =	sand.u32 $0x700, s1;
	vm1 =	vge.f32 v47, v46;
	vm2 =	vge.f32 v45, v46;
	v21 =	vmov s0;
	[tilespmem:v8+s21+$0x0] =	vst.idx.msk $0xffff, v36;
	v8 =	vmovc v19  }
0xe8: {  	vm3 =	vge.f32 v44, v46;
	v19 =	vmov s7;
	s0 =	sor.u32 $0x80, s7;
	v21 =	vshll.u32 v21, $0x7  }
0xe9: {  	v19 =	vshll.u32 v19, $0x3;
	v36 =	vmov s0;
	v21 =	vand.u32 $0x380, v21  }
0xea: {  	v36 =	vshll.u32 v36, $0x3;
	v44 =	vbroadcast v21, $0x0;
	v45 =	vor.u32 v19, v21  }
0xeb: {  	p1 =	slt.u32 s1, $0x3F00;
	v19 =	vbroadcast v19, $0x0;
	v21 =	vor.u32 v21, v36;
	v36 =	vbroadcast v36, $0x0  }
0xec: {  	v45 =	vbroadcast v45, $0x0;
	v47 =	vbroadcast v21, $0x0;
	v46 =	vor.u32 v4, v44  }
0xed: {  	v21 =	vor.u32 v44, v19;
	v50 =	vor.u32 v36, v46;
	v36 =	vor.u32 v44, v36  }
0xee: {  	v44 =	vor.u32 v0, v45;
	v51 =	vor.u32 v1, v45;
	v52 =	vor.u32 v5, v36  }
0xef: {  	v53 =	vor.u32 v2, v45;
	v45 =	vor.u32 v3, v45;
	v54 =	vor.u32 v6, v36  }
0xf0: {  	v55 =	vor.u32 v19, v46;
	v56 =	vor.u32 v5, v21;
	v57 =	vor.u32 v7, v36  }
0xf1: {  	v58 =	vor.u32 v6, v21;
	v59 =	vor.u32 v7, v21;
	v48 =	vor.u32 v0, v47  }
0xf2: {  	v46 =	vor.u32 v1, v47;
	v21 =	vor.u32 v2, v47;
	v19 =	vor.u32 v3, v47;
	v60 =	vld.idx.msk [tilespmem:v50+s16+$0x0], $0xffff  }
0xf3: {  	vm4 =	vge.f32 v37, v43;
	vm5 =	vge.f32 v38, v43;
	vm6 =	vge.f32 v39, v43;
	v61 =	vld.idx.msk [tilespmem:v52+s16+$0x0], $0xffff  }
0xf4: {  	vm7 =	vge.f32 v40, v43;
	vm8 =	vge.f32 v41, v49;
	vm9 =	vge.f32 v42, v49;
	v62 =	vld.idx.msk [tilespmem:v54+s16+$0x0], $0xffff  }
0xf5: {  	vm10 =	vge.f32 v34, v49;
	v36 =	vnsel vm0, $0x0, v20;
	vm0 =	vge.f32 v35, v49;
	v41 =	vld.idx.msk [tilespmem:v57+s16+$0x0], $0xffff  }
0xf6: {  	v34 =	vnsel vm1, $0x0, v22;
	v35 =	vnsel vm2, $0x0, v23;
	v20 =	vld.idx.msk [tilespmem:v44+s16+$0x0], $0xffff;
	[tilespmem:v18+s21+$0x0] =	vst.idx.msk $0xffff, v36;
	v36 =	vnsel vm3, $0x0, v24;
	v18 =	vmovc v44  }
0xf7: {  	v37 =	vnsel vm5, $0x0, v26;
	v38 =	vnsel vm6, $0x0, v27;
	v22 =	vld.idx.msk [tilespmem:v51+s16+$0x0], $0xffff;
	[tilespmem:v17+s21+$0x0] =	vst.idx.msk $0xffff, v34;
	v34 =	vnsel vm4, $0x0, v25;
	v17 =	vmovc v51  }
0xf8: {  	v49 =	vnsel vm8, $0x0, v29;
	v51 =	vnsel vm9, $0x0, v30;
	v23 =	vld.idx.msk [tilespmem:v53+s16+$0x0], $0xffff;
	[tilespmem:v16+s21+$0x0] =	vst.idx.msk $0xffff, v35;
	v35 =	vnsel vm7, $0x0, v28;
	v16 =	vmovc v53  }
0xf9: {  	v53 =	vnsel vm0, $0x0, v31;
	v24 =	vld.idx.msk [tilespmem:v45+s16+$0x0], $0xffff;
	[tilespmem:v12+s21+$0x0] =	vst.idx.msk $0xffff, v36;
	v36 =	vnsel vm10, $0x0, v32;
	v12 =	vmov v45  }
0xfa: {  	v31 =	vand.u32 $0x7FFFFFFF, v60;
	v32 =	vand.u32 $0x7FFFFFFF, v61;
	v25 =	vld.idx.msk [tilespmem:v55+s16+$0x0], $0xffff;
	[tilespmem:v9+s21+$0x0] =	vst.idx.msk $0xffff, v34;
	v9 =	vmov v55  }
0xfb: {  	v34 =	vand.u32 $0x7FFFFFFF, v62;
	v40 =	vand.u32 $0x7FFFFFFF, v41;
	v29 =	vmax.f32 v31, v32;
	v26 =	vld.idx.msk [tilespmem:v56+s16+$0x0], $0xffff;
	[tilespmem:v15+s21+$0x0] =	vst.idx.msk $0xffff, v37  }
0xfc: {  	v39 =	vmin.f32 v31, v32;
	v30 =	vmax.f32 v34, v40;
	v37 =	vmin.f32 v34, v40;
	v27 =	vld.idx.msk [tilespmem:v58+s16+$0x0], $0xffff  }
0xfd: {  	v43 =	vand.u32 $0x7FFFFFFF, v20;
	v15 =	vmovc v56;
	v30 =	vmin.f32 v29, v30;
	v37 =	vmax.f32 v39, v37;
	v28 =	vld.idx.msk [tilespmem:v59+s16+$0x0], $0xffff  }
0xfe: {  	v47 =	vand.u32 $0x7FFFFFFF, v22;
	v45 =	vand.u32 $0x7FFFFFFF, v23;
	v42 =	vmax.f32 v30, v37;
	v29 =	vld.idx.msk [tilespmem:v48+s16+$0x0], $0xffff;
	[tilespmem:v10+s21+$0x0] =	vst.idx.msk $0xffff, v38  }
0xff: {  	v55 =	vmax.f32 v43, v47;
	v44 =	vand.u32 $0x7FFFFFFF, v24;
	vm0 =	vge.f32 v31, v42;
	v10 =	vmovc v58;
	v30 =	vld.idx.msk [tilespmem:v46+s16+$0x0], $0xffff  }
0x100: {  	v37 =	vand.u32 $0x7FFFFFFF, v25;
	v39 =	vnsel vm0, $0x0, v60;
	vm0 =	vge.f32 v32, v42;
	v31 =	vld.idx.msk [tilespmem:v21+s16+$0x0], $0xffff;
	[tilespmem:v13+s21+$0x0] =	vst.idx.msk $0xffff, v35  }
0x101: {  	v38 =	vand.u32 $0x7FFFFFFF, v26;
	v35 =	vnsel vm0, $0x0, v61;
	vm0 =	vge.f32 v34, v42;
	v32 =	vld.idx.msk [tilespmem:v19+s16+$0x0], $0xffff;
	[tilespmem:v50+s21+$0x0] =	vst.idx.msk $0xffff, v39  }
0x102: {  	v13 =	vmovc v59;
	v39 =	vand.u32 $0x7FFFFFFF, v27;
	v34 =	vnsel vm0, $0x0, v62;
	vm0 =	vge.f32 v40, v42;
	[tilespmem:v52+s21+$0x0] =	vst.idx.msk $0xffff, v35  }
0x103: {  	v52 =	vmin.f32 v43, v47;
	v40 =	vand.u32 $0x7FFFFFFF, v28;
	[tilespmem:v54+s21+$0x0] =	vst.idx.msk $0xffff, v34;
	v34 =	vnsel vm0, $0x0, v41  }
0x104: {  	v56 =	vmin.f32 v45, v44;
	v54 =	vmax.f32 v45, v44;
	v41 =	vand.u32 $0x7FFFFFFF, v29;
	[tilespmem:v57+s21+$0x0] =	vst.idx.msk $0xffff, v34  }
.Ltmp1:
0x105: {  	v58 =	vmin.f32 v37, v38;
	v57 =	vmax.f32 v37, v38;
	v42 =	vand.u32 $0x7FFFFFFF, v30;
	[tilespmem:v14+s21+$0x0] =	vst.idx.msk $0xffff, v49;
	(pc) =	sbr.rel @p1 .LBB2_5-.Ltmp1, $4  }
0x106: {  	v59 =	vmax.f32 v39, v40;
	v60 =	vmin.f32 v39, v40;
	v35 =	vand.u32 $0x7FFFFFFF, v31;
	[tilespmem:v11+s21+$0x0] =	vst.idx.msk $0xffff, v51  }
0x107: {  	v50 =	vmax.f32 v41, v42;
	v49 =	vmin.f32 v41, v42;
	v34 =	vand.u32 $0x7FFFFFFF, v32;
	[tilespmem:v33+s21+$0x0] =	vst.idx.msk $0xffff, v53  }
0x108: {  	v14 =	vmovc v48;
	v53 =	vmin.f32 v55, v54;
	v51 =	vmax.f32 v35, v34;
	v33 =	vmin.f32 v35, v34  }
0x109: {  	v48 =	vmin.f32 v57, v59;
	v11 =	vmovc v46;
	v54 =	vmax.f32 v52, v56;
	v52 =	vmax.f32 v58, v60  }
0x10a: {  	_ =	sdelay $0x1  }
0x10b: {  	v46 =	vmax.f32 v53, v54  }
0x10c: {  	v54 =	vmax.f32 v48, v52;
	vm0 =	vge.f32 v43, v46  }
0x10d: {  	[tilespmem:v8+s21+$0x0] =	vst.idx.msk $0xffff, v36;
	vm8 =	vge.f32 v37, v54;
	v8 =	vnsel vm0, $0x0, v20  }
0x10e: {  	vm1 =	vge.f32 v47, v46;
	v57 =	vnsel vm8, $0x0, v25;
	[tilespmem:v18+s21+$0x0] =	vst.idx.msk $0xffff, v8  }
0x10f: {  	vm6 =	vge.f32 v45, v46;
	v8 =	vnsel vm1, $0x0, v22;
	[tilespmem:v9+s21+$0x0] =	vst.idx.msk $0xffff, v57  }
0x110: {  	vm7 =	vge.f32 v44, v46;
	v55 =	vnsel vm6, $0x0, v23;
	[tilespmem:v17+s21+$0x0] =	vst.idx.msk $0xffff, v8  }
0x111: {  	v56 =	vmin.f32 v50, v51;
	vm9 =	vge.f32 v38, v54;
	v8 =	vnsel vm7, $0x0, v24;
	[tilespmem:v16+s21+$0x0] =	vst.idx.msk $0xffff, v55  }
0x112: {  	vm10 =	vge.f32 v39, v54;
	v58 =	vnsel vm9, $0x0, v26;
	[tilespmem:v12+s21+$0x0] =	vst.idx.msk $0xffff, v8;
	v8 =	vmax.f32 v49, v33  }
0x113: {  	vm11 =	vge.f32 v40, v54;
	v59 =	vnsel vm10, $0x0, v27;
	[tilespmem:v15+s21+$0x0] =	vst.idx.msk $0xffff, v58;
	v8 =	vmax.f32 v56, v8  }
0x114: {  	v60 =	vnsel vm11, $0x0, v28;
	[tilespmem:v10+s21+$0x0] =	vst.idx.msk $0xffff, v59;
	vm12 =	vge.f32 v41, v8  }
0x115: {  	p1 =	sne.s32 s29, $0x14;
	[tilespmem:v13+s21+$0x0] =	vst.idx.msk $0xffff, v60;
	vm13 =	vge.f32 v42, v8;
	v61 =	vnsel vm12, $0x0, v29  }
.Ltmp2:
0x116: {  	vm14 =	vge.f32 v35, v8;
	v62 =	vnsel vm13, $0x0, v30;
	[tilespmem:v14+s21+$0x0] =	vst.idx.msk $0xffff, v61;
	(pc) =	sbr.rel @p1 .LBB2_8-.Ltmp2, $4  }
0x117: {  	s0 =	sadd.s32 s31, s10;
	vm15 =	vge.f32 v34, v8;
	v8 =	vnsel vm14, $0x0, v31;
	[tilespmem:v11+s21+$0x0] =	vst.idx.msk $0xffff, v62  }
0x118: {  	s0 =	sshll.u32 s0, $0x8;
	v63 =	vnsel vm15, $0x0, v32;
	[tilespmem:v21+s21+$0x0] =	vst.idx.msk $0xffff, v8  }
0x119: {  	s0 =	sadd.s32 s3, s0;
	[tilespmem:v19+s21+$0x0] =	vst.idx.msk $0xffff, v63  }
0x11a: {  	[hbm4b:s0+s4] =	stream.linear.scatter [tilespmem:s21], [sflag:$0x5], $0x4000, $0x38;
	[tilespmem:$0x18000] =	vst v63  }
.Ltmp3:
0x11b: {  	(pc) =	sbr.rel .LBB2_9-.Ltmp3, $4  }
0x11c: {  	_ = 	snop  }
0x11d: {  	_ =	swait.ge [sflag:s22], $0x4000  }
0x11e: {  	[sflag:s22] =	ssyncset.done $0x0  }
0x11f: {  	[sflag:s22] =	ssyncadd.s32 $0xFFFFC000  }
.LBB2_8:
0x120: {  	s0 =	sadd.s32 s30, s11  }
0x121: {  	s0 =	sshll.u32 s0, $0xB  }
.Ltmp4:
0x122: {  	s0 =	sadd.s32 s2, s0;
	(pc) =	sbr.rel @p0 .LBB2_10-.Ltmp4, $4  }
0x123: {  	[tilespmem:s16], [sflag:$0x2] =	stream.linear.gather [hbm4b:s0+s4], $0x4000, $0x38;
	[tilespmem:$0x18000] =	vst v63  }
0x124: {  	_ =	swait.ge [sflag:s22], $0x4000  }
0x125: {  	[sflag:s22] =	ssyncset.done $0x0  }
0x126: {  	[sflag:s22] =	ssyncadd.s32 $0xFFFFC000  }
.LBB2_9:
0x127: {  	_ =	swait.ge [sflag:s23], $0x4000  }
0x128: {  	[sflag:s23] =	ssyncset.done $0x0  }
0x129: {  	[sflag:s23] =	ssyncadd.s32 $0xFFFFC000  }
.LBB2_10:
0x12a: {  	s0 =	simm.s32 $0x0;
	s1 =	simm.s32 $0x0  }
0x12b: {  	s0 =	sand.u32 $0x700, s0;
	v8 =	vmov s1  }
0x12c: {  	v8 =	vshll.u32 v8, $0x7;
	s7 =	sor.u32 $0x80, s0  }
0x12d: {  	v12 =	vmov s0;
	v8 =	vand.u32 $0x380, v8;
	v9 =	vmov s7  }
0x12e: {  	v12 =	vshll.u32 v12, $0x3;
	v10 =	vbroadcast v8, $0x0;
	v9 =	vshll.u32 v9, $0x3  }
0x12f: {  	v15 =	vor.u32 v12, v8;
	v11 =	vbroadcast v9, $0x0  }
0x130: {  	v15 =	vbroadcast v15, $0x0;
	v13 =	vor.u32 v4, v10  }
0x131: {  	v12 =	vbroadcast v12, $0x0;
	v14 =	vor.u32 v11, v13  }
0x132: {  	v22 =	vor.u32 v0, v15  }
0x133: {  	v8 =	vor.u32 v8, v9;
	v9 =	vor.u32 v10, v12;
	v26 =	vor.u32 v12, v13  }
0x134: {  	v29 =	vor.u32 v5, v9  }
0x135: {  	v11 =	vor.u32 v10, v11;
	v30 =	vor.u32 v6, v9  }
0x136: {  	v16 =	vor.u32 v5, v11;
	v18 =	vld.idx.msk [tilespmem:v14+s17+$0x0], $0xffff  }
0x137: {  	v8 =	vbroadcast v8, $0x0;
	v17 =	vor.u32 v6, v11;
	v20 =	vld.idx.msk [tilespmem:v22+s17+$0x0], $0xffff  }
0x138: {  	v11 =	vor.u32 v7, v11;
	v36 =	vld.idx.msk [tilespmem:v26+s17+$0x0], $0xffff  }
0x139: {  	v35 =	vor.u32 v0, v8;
	v37 =	vld.idx.msk [tilespmem:v29+s17+$0x0], $0xffff  }
0x13a: {  	v34 =	vor.u32 v1, v8;
	v40 =	vld.idx.msk [tilespmem:v30+s17+$0x0], $0xffff  }
0x13b: {  	v23 =	vor.u32 v1, v15;
	v33 =	vor.u32 v2, v8;
	v19 =	vld.idx.msk [tilespmem:v16+s17+$0x0], $0xffff  }
0x13c: {  	v24 =	vor.u32 v2, v15;
	v25 =	vor.u32 v3, v15;
	v8 =	vor.u32 v3, v8;
	v15 =	vld.idx.msk [tilespmem:v17+s17+$0x0], $0xffff  }
0x13d: {  	v10 =	vld.idx.msk [tilespmem:v11+s17+$0x0], $0xffff  }
0x13e: {  	v45 =	vld.idx.msk [tilespmem:v35+s17+$0x0], $0xffff  }
0x13f: {  	v47 =	vld.idx.msk [tilespmem:v34+s17+$0x0], $0xffff  }
0x140: {  	v49 =	vld.idx.msk [tilespmem:v33+s17+$0x0], $0xffff  }
0x141: {  	v51 =	vld.idx.msk [tilespmem:v8+s17+$0x0], $0xffff  }
0x142: {  	v31 =	vor.u32 v7, v9;
	v9 =	vand.u32 $0x7FFFFFFF, v18  }
0x143: {  	v43 =	vand.u32 $0x7FFFFFFF, v20;
	v48 =	vand.u32 $0x7FFFFFFF, v36;
	v50 =	vand.u32 $0x7FFFFFFF, v37  }
0x144: {  	v27 =	vld.idx.msk [tilespmem:v23+s17+$0x0], $0xffff;
	v52 =	vand.u32 $0x7FFFFFFF, v40;
	v12 =	vand.u32 $0x7FFFFFFF, v19;
	v13 =	vand.u32 $0x7FFFFFFF, v15  }
0x145: {  	v28 =	vld.idx.msk [tilespmem:v24+s17+$0x0], $0xffff;
	v21 =	vand.u32 $0x7FFFFFFF, v10;
	v53 =	vand.u32 $0x7FFFFFFF, v45;
	v54 =	vmin.f32 v48, v50  }
0x146: {  	v32 =	vld.idx.msk [tilespmem:v25+s17+$0x0], $0xffff;
	v55 =	vand.u32 $0x7FFFFFFF, v47;
	v58 =	vand.u32 $0x7FFFFFFF, v49;
	v59 =	vand.u32 $0x7FFFFFFF, v51  }
0x147: {  	v38 =	vmax.f32 v9, v12;
	v39 =	vmin.f32 v9, v12;
	v41 =	vmax.f32 v13, v21  }
0x148: {  	v44 =	vld.idx.msk [tilespmem:v31+s17+$0x0], $0xffff;
	v42 =	vmin.f32 v13, v21;
	v62 =	vmax.f32 v53, v55;
	v63 =	vmax.f32 v58, v59  }
0x149: {  	v60 =	vmin.f32 v58, v59;
	v38 =	vmin.f32 v38, v41;
	v39 =	vmax.f32 v39, v42  }
0x14a: {  	v41 =	vand.u32 $0x7FFFFFFF, v27;
	v42 =	vand.u32 $0x7FFFFFFF, v28;
	v38 =	vmax.f32 v38, v39  }
0x14b: {  	v39 =	vand.u32 $0x7FFFFFFF, v32;
	v46 =	vmax.f32 v43, v41;
	vm0 =	vge.f32 v9, v38  }
0x14c: {  	vm11 =	vge.f32 v12, v38;
	vm12 =	vge.f32 v13, v38;
	vm13 =	vge.f32 v21, v38  }
0x14d: {  	v38 =	vand.u32 $0x7FFFFFFF, v44;
	v21 =	vmax.f32 v48, v50;
	v9 =	vnsel vm0, $0x0, v18  }
0x14e: {  	v12 =	vnsel vm11, $0x0, v19;
	v13 =	vnsel vm12, $0x0, v15;
	v15 =	vmin.f32 v43, v41  }
0x14f: {  	v18 =	vmax.f32 v42, v39;
	v19 =	vmin.f32 v42, v39;
	v56 =	vmax.f32 v52, v38  }
0x150: {  	v57 =	vmin.f32 v52, v38;
	v18 =	vmin.f32 v46, v18;
	v15 =	vmax.f32 v15, v19  }
0x151: {  	v19 =	vmin.f32 v53, v55;
	v21 =	vmin.f32 v21, v56;
	v54 =	vmax.f32 v54, v57  }
0x152: {  	s1 =	simm.s32 $0x100;
	s0 =	simm.s32 $0x0;
	v15 =	vmax.f32 v18, v15;
	v18 =	vmin.f32 v62, v63;
	v19 =	vmax.f32 v19, v60  }
0x153: {  	s7 =	sand.u32 $0x700, s1;
	v61 =	vmax.f32 v21, v54;
	v46 =	vmax.f32 v18, v19;
	v18 =	vmov s0  }
0x154: {  	vm14 =	vge.f32 v43, v15;
	vm2 =	vge.f32 v41, v15;
	s0 =	sor.u32 $0x80, s7;
	v18 =	vshll.u32 v18, $0x7  }
0x155: {  	vm1 =	vge.f32 v42, v15;
	v21 =	vmov s0;
	v18 =	vand.u32 $0x380, v18  }
0x156: {  	v19 =	vmov s7;
	v21 =	vshll.u32 v21, $0x3;
	v62 =	vbroadcast v18, $0x0  }
0x157: {  	[tilespmem:v14+s24+$0x0] =	vst.idx.msk $0xffff, v9;
	vm3 =	vge.f32 v39, v15;
	v19 =	vshll.u32 v19, $0x3;
	v14 =	vbroadcast v21, $0x0  }
0x158: {  	[tilespmem:v16+s24+$0x0] =	vst.idx.msk $0xffff, v12;
	v15 =	vbroadcast v19, $0x0;
	v9 =	vor.u32 v19, v18;
	v19 =	vor.u32 v4, v62  }
0x159: {  	[tilespmem:v17+s24+$0x0] =	vst.idx.msk $0xffff, v13;
	v13 =	vor.u32 v62, v14;
	v39 =	vor.u32 v14, v19  }
0x15a: {  	v10 =	vnsel vm13, $0x0, v10;
	vm4 =	vge.f32 v48, v61;
	v41 =	vor.u32 v5, v13  }
0x15b: {  	vm5 =	vge.f32 v50, v61;
	v9 =	vbroadcast v9, $0x0;
	v54 =	vor.u32 v6, v13  }
0x15c: {  	vm6 =	vge.f32 v52, v61;
	[tilespmem:v11+s24+$0x0] =	vst.idx.msk $0xffff, v10;
	v56 =	vor.u32 v7, v13  }
0x15d: {  	vm9 =	vge.f32 v55, v46;
	v12 =	vor.u32 v18, v21;
	v18 =	vor.u32 v0, v9  }
0x15e: {  	v55 =	vnsel vm14, $0x0, v20;
	vm10 =	vge.f32 v59, v46;
	v17 =	vor.u32 v1, v9;
	v57 =	vld.idx.msk [tilespmem:v39+s17+$0x0], $0xffff  }
0x15f: {  	v59 =	vnsel vm4, $0x0, v36;
	[tilespmem:v22+s24+$0x0] =	vst.idx.msk $0xffff, v55;
	v63 =	vbroadcast v12, $0x0;
	v16 =	vor.u32 v2, v9;
	v42 =	vld.idx.msk [tilespmem:v41+s17+$0x0], $0xffff  }
0x160: {  	v11 =	vor.u32 v62, v15;
	v12 =	vor.u32 v3, v9;
	v9 =	vor.u32 v15, v19;
	v48 =	vld.idx.msk [tilespmem:v54+s17+$0x0], $0xffff  }
0x161: {  	v27 =	vnsel vm2, $0x0, v27;
	[tilespmem:v26+s24+$0x0] =	vst.idx.msk $0xffff, v59;
	v13 =	vor.u32 v7, v11;
	v50 =	vld.idx.msk [tilespmem:v56+s17+$0x0], $0xffff  }
0x162: {  	v37 =	vnsel vm5, $0x0, v37;
	[tilespmem:v23+s24+$0x0] =	vst.idx.msk $0xffff, v27;
	v21 =	vor.u32 v2, v63;
	v20 =	vld.idx.msk [tilespmem:v18+s17+$0x0], $0xffff  }
0x163: {  	vm7 =	vge.f32 v38, v61;
	v28 =	vnsel vm1, $0x0, v28;
	[tilespmem:v29+s24+$0x0] =	vst.idx.msk $0xffff, v37;
	v22 =	vld.idx.msk [tilespmem:v17+s17+$0x0], $0xffff  }
0x164: {  	vm8 =	vge.f32 v53, v46;
	v32 =	vnsel vm3, $0x0, v32;
	[tilespmem:v24+s24+$0x0] =	vst.idx.msk $0xffff, v28;
	v23 =	vld.idx.msk [tilespmem:v16+s17+$0x0], $0xffff  }
0x165: {  	vm15 =	vge.f32 v58, v46;
	v40 =	vnsel vm6, $0x0, v40;
	[tilespmem:v25+s24+$0x0] =	vst.idx.msk $0xffff, v32;
	v25 =	vld.idx.msk [tilespmem:v9+s17+$0x0], $0xffff  }
0x166: {  	v46 =	vnsel vm7, $0x0, v44;
	v52 =	vnsel vm8, $0x0, v45;
	[tilespmem:v30+s24+$0x0] =	vst.idx.msk $0xffff, v40;
	v15 =	vor.u32 v5, v11;
	v28 =	vld.idx.msk [tilespmem:v13+s17+$0x0], $0xffff  }
0x167: {  	v53 =	vnsel vm9, $0x0, v47;
	v55 =	vnsel vm15, $0x0, v49;
	v36 =	vnsel vm10, $0x0, v51;
	[tilespmem:v31+s24+$0x0] =	vst.idx.msk $0xffff, v46;
	v31 =	vld.idx.msk [tilespmem:v21+s17+$0x0], $0xffff  }
0x168: {  	v10 =	vor.u32 v6, v11;
	v14 =	vor.u32 v0, v63;
	v11 =	vor.u32 v1, v63  }
0x169: {  	v19 =	vor.u32 v3, v63;
	v32 =	vand.u32 $0x7FFFFFFF, v57;
	v49 =	vand.u32 $0x7FFFFFFF, v42  }
0x16a: {  	v24 =	vld.idx.msk [tilespmem:v12+s17+$0x0], $0xffff;
	v51 =	vand.u32 $0x7FFFFFFF, v48;
	v58 =	vand.u32 $0x7FFFFFFF, v50;
	v43 =	vand.u32 $0x7FFFFFFF, v20  }
0x16b: {  	v26 =	vld.idx.msk [tilespmem:v15+s17+$0x0], $0xffff;
	v47 =	vand.u32 $0x7FFFFFFF, v22;
	v45 =	vand.u32 $0x7FFFFFFF, v23;
	v37 =	vand.u32 $0x7FFFFFFF, v25  }
0x16c: {  	[tilespmem:v35+s24+$0x0] =	vst.idx.msk $0xffff, v52;
	v40 =	vand.u32 $0x7FFFFFFF, v28;
	v35 =	vand.u32 $0x7FFFFFFF, v31;
	v60 =	vmax.f32 v32, v49  }
0x16d: {  	v61 =	vmin.f32 v32, v49;
	v62 =	vmax.f32 v51, v58;
	v63 =	vmin.f32 v51, v58  }
0x16e: {  	v27 =	vld.idx.msk [tilespmem:v10+s17+$0x0], $0xffff;
	v46 =	vmin.f32 v43, v47;
	v38 =	vmin.f32 v60, v62;
	v44 =	vmax.f32 v61, v63  }
0x16f: {  	v30 =	vld.idx.msk [tilespmem:v11+s17+$0x0], $0xffff;
	v60 =	vmax.f32 v43, v47;
	v59 =	vmax.f32 v38, v44;
	v44 =	vand.u32 $0x7FFFFFFF, v24  }
0x170: {  	v29 =	vld.idx.msk [tilespmem:v14+s17+$0x0], $0xffff;
	v38 =	vand.u32 $0x7FFFFFFF, v26;
	vm12 =	vge.f32 v32, v59;
	vm13 =	vge.f32 v49, v59  }
0x171: {  	[tilespmem:v34+s24+$0x0] =	vst.idx.msk $0xffff, v53;
	vm14 =	vge.f32 v51, v59;
	vm15 =	vge.f32 v58, v59;
	v32 =	vnsel vm12, $0x0, v57  }
0x172: {  	v61 =	vmin.f32 v37, v38;
	v49 =	vnsel vm13, $0x0, v42;
	v57 =	vnsel vm14, $0x0, v48;
	[tilespmem:v39+s24+$0x0] =	vst.idx.msk $0xffff, v32;
	v32 =	vld.idx.msk [tilespmem:v19+s17+$0x0], $0xffff  }
0x173: {  	[tilespmem:v33+s24+$0x0] =	vst.idx.msk $0xffff, v55;
	v59 =	vnsel vm15, $0x0, v50;
	v48 =	vmax.f32 v45, v44;
	v39 =	vand.u32 $0x7FFFFFFF, v27  }
0x174: {  	v42 =	vand.u32 $0x7FFFFFFF, v30;
	v53 =	vmin.f32 v60, v48;
	[tilespmem:v41+s24+$0x0] =	vst.idx.msk $0xffff, v49;
	v62 =	vmax.f32 v39, v40  }
0x175: {  	v41 =	vand.u32 $0x7FFFFFFF, v29;
	v63 =	vmin.f32 v39, v40;
	[tilespmem:v54+s24+$0x0] =	vst.idx.msk $0xffff, v57;
	v54 =	vmin.f32 v45, v44  }
0x176: {  	v50 =	vmax.f32 v41, v42;
	v49 =	vmin.f32 v41, v42;
	v52 =	vmax.f32 v61, v63  }
0x177: {  	[tilespmem:v56+s24+$0x0] =	vst.idx.msk $0xffff, v59;
	v56 =	vmax.f32 v37, v38;
	v54 =	vmax.f32 v46, v54;
	v34 =	vand.u32 $0x7FFFFFFF, v32  }
0x178: {  	v48 =	vmin.f32 v56, v62;
	v51 =	vmax.f32 v35, v34;
	v33 =	vmin.f32 v35, v34  }
.LBB2_11:
0x179: {  	s1 =	sadd.s32 $0x100, s1;
	v46 =	vmax.f32 v53, v54;
	v50 =	vmin.f32 v50, v51;
	v49 =	vmax.f32 v49, v33;
	v33 =	vmovc v21  }
0x17a: {  	s0 =	sshrl.u32 s1, $0xB;
	vm0 =	vge.f32 v43, v46;
	v43 =	vmax.f32 v48, v52;
	v49 =	vmax.f32 v50, v49  }
0x17b: {  	s7 =	sand.u32 $0x700, s1;
	vm1 =	vge.f32 v47, v46;
	vm2 =	vge.f32 v45, v46;
	v21 =	vmov s0;
	[tilespmem:v8+s24+$0x0] =	vst.idx.msk $0xffff, v36;
	v8 =	vmovc v19  }
0x17c: {  	vm3 =	vge.f32 v44, v46;
	v19 =	vmov s7;
	s0 =	sor.u32 $0x80, s7;
	v21 =	vshll.u32 v21, $0x7  }
0x17d: {  	v19 =	vshll.u32 v19, $0x3;
	v36 =	vmov s0;
	v21 =	vand.u32 $0x380, v21  }
0x17e: {  	v36 =	vshll.u32 v36, $0x3;
	v44 =	vbroadcast v21, $0x0;
	v45 =	vor.u32 v19, v21  }
0x17f: {  	p0 =	slt.u32 s1, $0x3F00;
	v19 =	vbroadcast v19, $0x0;
	v21 =	vor.u32 v21, v36;
	v36 =	vbroadcast v36, $0x0  }
0x180: {  	v45 =	vbroadcast v45, $0x0;
	v47 =	vbroadcast v21, $0x0;
	v46 =	vor.u32 v4, v44  }
0x181: {  	v21 =	vor.u32 v44, v19;
	v50 =	vor.u32 v36, v46;
	v36 =	vor.u32 v44, v36  }
0x182: {  	v44 =	vor.u32 v0, v45;
	v51 =	vor.u32 v1, v45;
	v52 =	vor.u32 v5, v36  }
0x183: {  	v53 =	vor.u32 v2, v45;
	v45 =	vor.u32 v3, v45;
	v54 =	vor.u32 v6, v36  }
0x184: {  	v55 =	vor.u32 v19, v46;
	v56 =	vor.u32 v5, v21;
	v57 =	vor.u32 v7, v36  }
0x185: {  	v58 =	vor.u32 v6, v21;
	v59 =	vor.u32 v7, v21;
	v48 =	vor.u32 v0, v47  }
0x186: {  	v46 =	vor.u32 v1, v47;
	v21 =	vor.u32 v2, v47;
	v19 =	vor.u32 v3, v47;
	v60 =	vld.idx.msk [tilespmem:v50+s17+$0x0], $0xffff  }
0x187: {  	vm4 =	vge.f32 v37, v43;
	vm5 =	vge.f32 v38, v43;
	vm6 =	vge.f32 v39, v43;
	v61 =	vld.idx.msk [tilespmem:v52+s17+$0x0], $0xffff  }
0x188: {  	vm7 =	vge.f32 v40, v43;
	vm8 =	vge.f32 v41, v49;
	vm9 =	vge.f32 v42, v49;
	v62 =	vld.idx.msk [tilespmem:v54+s17+$0x0], $0xffff  }
0x189: {  	vm10 =	vge.f32 v34, v49;
	v36 =	vnsel vm0, $0x0, v20;
	vm0 =	vge.f32 v35, v49;
	v41 =	vld.idx.msk [tilespmem:v57+s17+$0x0], $0xffff  }
0x18a: {  	v34 =	vnsel vm1, $0x0, v22;
	v35 =	vnsel vm2, $0x0, v23;
	v20 =	vld.idx.msk [tilespmem:v44+s17+$0x0], $0xffff;
	[tilespmem:v18+s24+$0x0] =	vst.idx.msk $0xffff, v36;
	v36 =	vnsel vm3, $0x0, v24;
	v18 =	vmovc v44  }
0x18b: {  	v37 =	vnsel vm5, $0x0, v26;
	v38 =	vnsel vm6, $0x0, v27;
	v22 =	vld.idx.msk [tilespmem:v51+s17+$0x0], $0xffff;
	[tilespmem:v17+s24+$0x0] =	vst.idx.msk $0xffff, v34;
	v34 =	vnsel vm4, $0x0, v25;
	v17 =	vmovc v51  }
0x18c: {  	v49 =	vnsel vm8, $0x0, v29;
	v51 =	vnsel vm9, $0x0, v30;
	v23 =	vld.idx.msk [tilespmem:v53+s17+$0x0], $0xffff;
	[tilespmem:v16+s24+$0x0] =	vst.idx.msk $0xffff, v35;
	v35 =	vnsel vm7, $0x0, v28;
	v16 =	vmovc v53  }
0x18d: {  	v53 =	vnsel vm0, $0x0, v31;
	v24 =	vld.idx.msk [tilespmem:v45+s17+$0x0], $0xffff;
	[tilespmem:v12+s24+$0x0] =	vst.idx.msk $0xffff, v36;
	v36 =	vnsel vm10, $0x0, v32;
	v12 =	vmov v45  }
0x18e: {  	v31 =	vand.u32 $0x7FFFFFFF, v60;
	v32 =	vand.u32 $0x7FFFFFFF, v61;
	v25 =	vld.idx.msk [tilespmem:v55+s17+$0x0], $0xffff;
	[tilespmem:v9+s24+$0x0] =	vst.idx.msk $0xffff, v34;
	v9 =	vmov v55  }
0x18f: {  	v34 =	vand.u32 $0x7FFFFFFF, v62;
	v40 =	vand.u32 $0x7FFFFFFF, v41;
	v29 =	vmax.f32 v31, v32;
	v26 =	vld.idx.msk [tilespmem:v56+s17+$0x0], $0xffff;
	[tilespmem:v15+s24+$0x0] =	vst.idx.msk $0xffff, v37  }
0x190: {  	v39 =	vmin.f32 v31, v32;
	v30 =	vmax.f32 v34, v40;
	v37 =	vmin.f32 v34, v40;
	v27 =	vld.idx.msk [tilespmem:v58+s17+$0x0], $0xffff  }
0x191: {  	v43 =	vand.u32 $0x7FFFFFFF, v20;
	v15 =	vmovc v56;
	v30 =	vmin.f32 v29, v30;
	v37 =	vmax.f32 v39, v37;
	v28 =	vld.idx.msk [tilespmem:v59+s17+$0x0], $0xffff  }
0x192: {  	v47 =	vand.u32 $0x7FFFFFFF, v22;
	v45 =	vand.u32 $0x7FFFFFFF, v23;
	v42 =	vmax.f32 v30, v37;
	v29 =	vld.idx.msk [tilespmem:v48+s17+$0x0], $0xffff;
	[tilespmem:v10+s24+$0x0] =	vst.idx.msk $0xffff, v38  }
0x193: {  	v55 =	vmax.f32 v43, v47;
	v44 =	vand.u32 $0x7FFFFFFF, v24;
	vm0 =	vge.f32 v31, v42;
	v10 =	vmovc v58;
	v30 =	vld.idx.msk [tilespmem:v46+s17+$0x0], $0xffff  }
0x194: {  	v37 =	vand.u32 $0x7FFFFFFF, v25;
	v39 =	vnsel vm0, $0x0, v60;
	vm0 =	vge.f32 v32, v42;
	v31 =	vld.idx.msk [tilespmem:v21+s17+$0x0], $0xffff;
	[tilespmem:v13+s24+$0x0] =	vst.idx.msk $0xffff, v35  }
0x195: {  	v38 =	vand.u32 $0x7FFFFFFF, v26;
	v35 =	vnsel vm0, $0x0, v61;
	vm0 =	vge.f32 v34, v42;
	v32 =	vld.idx.msk [tilespmem:v19+s17+$0x0], $0xffff;
	[tilespmem:v50+s24+$0x0] =	vst.idx.msk $0xffff, v39  }
0x196: {  	v13 =	vmovc v59;
	v39 =	vand.u32 $0x7FFFFFFF, v27;
	v34 =	vnsel vm0, $0x0, v62;
	vm0 =	vge.f32 v40, v42;
	[tilespmem:v52+s24+$0x0] =	vst.idx.msk $0xffff, v35  }
0x197: {  	v52 =	vmin.f32 v43, v47;
	v40 =	vand.u32 $0x7FFFFFFF, v28;
	[tilespmem:v54+s24+$0x0] =	vst.idx.msk $0xffff, v34;
	v34 =	vnsel vm0, $0x0, v41  }
0x198: {  	v56 =	vmin.f32 v45, v44;
	v54 =	vmax.f32 v45, v44;
	v41 =	vand.u32 $0x7FFFFFFF, v29;
	[tilespmem:v57+s24+$0x0] =	vst.idx.msk $0xffff, v34  }
.Ltmp5:
0x199: {  	v58 =	vmin.f32 v37, v38;
	v57 =	vmax.f32 v37, v38;
	v42 =	vand.u32 $0x7FFFFFFF, v30;
	[tilespmem:v14+s24+$0x0] =	vst.idx.msk $0xffff, v49;
	(pc) =	sbr.rel @p0 .LBB2_11-.Ltmp5, $4  }
0x19a: {  	v59 =	vmax.f32 v39, v40;
	v60 =	vmin.f32 v39, v40;
	v35 =	vand.u32 $0x7FFFFFFF, v31;
	[tilespmem:v11+s24+$0x0] =	vst.idx.msk $0xffff, v51  }
0x19b: {  	v50 =	vmax.f32 v41, v42;
	v49 =	vmin.f32 v41, v42;
	v34 =	vand.u32 $0x7FFFFFFF, v32;
	[tilespmem:v33+s24+$0x0] =	vst.idx.msk $0xffff, v53  }
0x19c: {  	v14 =	vmovc v48;
	v53 =	vmin.f32 v55, v54;
	v51 =	vmax.f32 v35, v34;
	v33 =	vmin.f32 v35, v34  }
0x19d: {  	v48 =	vmin.f32 v57, v59;
	v11 =	vmovc v46;
	v54 =	vmax.f32 v52, v56;
	v52 =	vmax.f32 v58, v60  }
0x19e: {  	_ =	sdelay $0x1  }
0x19f: {  	v46 =	vmax.f32 v53, v54  }
0x1a0: {  	v54 =	vmax.f32 v48, v52;
	vm0 =	vge.f32 v43, v46  }
0x1a1: {  	[tilespmem:v8+s24+$0x0] =	vst.idx.msk $0xffff, v36;
	vm8 =	vge.f32 v37, v54;
	v8 =	vnsel vm0, $0x0, v20  }
0x1a2: {  	vm1 =	vge.f32 v47, v46;
	v57 =	vnsel vm8, $0x0, v25;
	[tilespmem:v18+s24+$0x0] =	vst.idx.msk $0xffff, v8  }
0x1a3: {  	vm6 =	vge.f32 v45, v46;
	v8 =	vnsel vm1, $0x0, v22;
	[tilespmem:v9+s24+$0x0] =	vst.idx.msk $0xffff, v57  }
0x1a4: {  	vm7 =	vge.f32 v44, v46;
	v55 =	vnsel vm6, $0x0, v23;
	[tilespmem:v17+s24+$0x0] =	vst.idx.msk $0xffff, v8  }
0x1a5: {  	v56 =	vmin.f32 v50, v51;
	vm9 =	vge.f32 v38, v54;
	v8 =	vnsel vm7, $0x0, v24;
	[tilespmem:v16+s24+$0x0] =	vst.idx.msk $0xffff, v55  }
0x1a6: {  	vm10 =	vge.f32 v39, v54;
	v58 =	vnsel vm9, $0x0, v26;
	[tilespmem:v12+s24+$0x0] =	vst.idx.msk $0xffff, v8;
	v8 =	vmax.f32 v49, v33  }
0x1a7: {  	vm11 =	vge.f32 v40, v54;
	v59 =	vnsel vm10, $0x0, v27;
	[tilespmem:v15+s24+$0x0] =	vst.idx.msk $0xffff, v58;
	v8 =	vmax.f32 v56, v8  }
0x1a8: {  	v60 =	vnsel vm11, $0x0, v28;
	[tilespmem:v10+s24+$0x0] =	vst.idx.msk $0xffff, v59;
	vm12 =	vge.f32 v41, v8  }
0x1a9: {  	p0 =	seq.s32 s29, $0x14;
	[tilespmem:v13+s24+$0x0] =	vst.idx.msk $0xffff, v60;
	vm13 =	vge.f32 v42, v8;
	v61 =	vnsel vm12, $0x0, v29  }
.Ltmp6:
0x1aa: {  	vm14 =	vge.f32 v35, v8;
	v62 =	vnsel vm13, $0x0, v30;
	[tilespmem:v14+s24+$0x0] =	vst.idx.msk $0xffff, v61;
	(pc) =	sbr.rel @p0 .LBB2_14-.Ltmp6, $4  }
0x1ab: {  	s0 =	sadd.s32 s31, s12;
	vm15 =	vge.f32 v34, v8;
	v8 =	vnsel vm14, $0x0, v31;
	[tilespmem:v11+s24+$0x0] =	vst.idx.msk $0xffff, v62  }
0x1ac: {  	s0 =	sshll.u32 s0, $0x8;
	v63 =	vnsel vm15, $0x0, v32;
	[tilespmem:v21+s24+$0x0] =	vst.idx.msk $0xffff, v8  }
0x1ad: {  	s0 =	sadd.s32 s3, s0;
	[tilespmem:v19+s24+$0x0] =	vst.idx.msk $0xffff, v63  }
0x1ae: {  	[hbm4b:s0+s4] =	stream.linear.scatter [tilespmem:s24], [sflag:$0x6], $0x4000, $0x38;
	[tilespmem:$0x18000] =	vst v63  }
.Ltmp7:
0x1af: {  	(pc) =	sbr.rel .LBB2_2-.Ltmp7, $4  }
0x1b0: {  	s0 =	sadd.s32 s30, s13  }
0x1b1: {  	s0 =	sshll.u32 s0, $0xB  }
0x1b2: {  	s29 =	sadd.s32 $0x1, s29;
	s0 =	sadd.s32 s2, s0  }
0x1b3: {  	[tilespmem:s17], [sflag:$0x3] =	stream.linear.gather [hbm4b:s0+s4], $0x4000, $0x38;
	[tilespmem:$0x18000] =	vst v63  }
.LBB2_14:
0x1b4: {  	s0 =	simm.s32 $0x0;
	s1 =	simm.s32 $0x0  }
0x1b5: {  	s0 =	sand.u32 $0x700, s0;
	v8 =	vmov s1  }
0x1b6: {  	v8 =	vshll.u32 v8, $0x7;
	s29 =	sor.u32 $0x80, s0  }
0x1b7: {  	v12 =	vmov s0;
	v8 =	vand.u32 $0x380, v8;
	v9 =	vmov s29  }
0x1b8: {  	v12 =	vshll.u32 v12, $0x3;
	v10 =	vbroadcast v8, $0x0;
	v9 =	vshll.u32 v9, $0x3  }
0x1b9: {  	v15 =	vor.u32 v12, v8;
	v11 =	vbroadcast v9, $0x0  }
0x1ba: {  	_ =	swait.ge [sflag:s18], $0x4000;
	v15 =	vbroadcast v15, $0x0;
	v13 =	vor.u32 v4, v10  }
0x1bb: {  	[sflag:s18] =	ssyncset.done $0x0;
	v12 =	vbroadcast v12, $0x0;
	v14 =	vor.u32 v11, v13  }
0x1bc: {  	[sflag:s18] =	ssyncadd.s32 $0xFFFFC000;
	v22 =	vor.u32 v0, v15  }
0x1bd: {  	_ =	swait.ge [sflag:s25], $0x4000;
	v8 =	vor.u32 v8, v9;
	v9 =	vor.u32 v10, v12;
	v26 =	vor.u32 v12, v13  }
0x1be: {  	[sflag:s25] =	ssyncset.done $0x0;
	v29 =	vor.u32 v5, v9  }
0x1bf: {  	[sflag:s25] =	ssyncadd.s32 $0xFFFFC000;
	v11 =	vor.u32 v10, v11;
	v30 =	vor.u32 v6, v9  }
0x1c0: {  	v16 =	vor.u32 v5, v11;
	v18 =	vld.idx.msk [tilespmem:v14+s4+$0x0], $0xffff  }
0x1c1: {  	v8 =	vbroadcast v8, $0x0;
	v17 =	vor.u32 v6, v11;
	v20 =	vld.idx.msk [tilespmem:v22+s4+$0x0], $0xffff  }
0x1c2: {  	v11 =	vor.u32 v7, v11;
	v36 =	vld.idx.msk [tilespmem:v26+s4+$0x0], $0xffff  }
0x1c3: {  	v35 =	vor.u32 v0, v8;
	v37 =	vld.idx.msk [tilespmem:v29+s4+$0x0], $0xffff  }
0x1c4: {  	v34 =	vor.u32 v1, v8;
	v40 =	vld.idx.msk [tilespmem:v30+s4+$0x0], $0xffff  }
0x1c5: {  	v23 =	vor.u32 v1, v15;
	v33 =	vor.u32 v2, v8;
	v19 =	vld.idx.msk [tilespmem:v16+s4+$0x0], $0xffff  }
0x1c6: {  	v24 =	vor.u32 v2, v15;
	v25 =	vor.u32 v3, v15;
	v8 =	vor.u32 v3, v8;
	v15 =	vld.idx.msk [tilespmem:v17+s4+$0x0], $0xffff  }
0x1c7: {  	v10 =	vld.idx.msk [tilespmem:v11+s4+$0x0], $0xffff  }
0x1c8: {  	v45 =	vld.idx.msk [tilespmem:v35+s4+$0x0], $0xffff  }
0x1c9: {  	v47 =	vld.idx.msk [tilespmem:v34+s4+$0x0], $0xffff  }
0x1ca: {  	v49 =	vld.idx.msk [tilespmem:v33+s4+$0x0], $0xffff  }
0x1cb: {  	v51 =	vld.idx.msk [tilespmem:v8+s4+$0x0], $0xffff  }
0x1cc: {  	v31 =	vor.u32 v7, v9;
	v9 =	vand.u32 $0x7FFFFFFF, v18  }
0x1cd: {  	v43 =	vand.u32 $0x7FFFFFFF, v20;
	v48 =	vand.u32 $0x7FFFFFFF, v36;
	v50 =	vand.u32 $0x7FFFFFFF, v37  }
0x1ce: {  	v27 =	vld.idx.msk [tilespmem:v23+s4+$0x0], $0xffff;
	v52 =	vand.u32 $0x7FFFFFFF, v40;
	v12 =	vand.u32 $0x7FFFFFFF, v19;
	v13 =	vand.u32 $0x7FFFFFFF, v15  }
0x1cf: {  	v28 =	vld.idx.msk [tilespmem:v24+s4+$0x0], $0xffff;
	v21 =	vand.u32 $0x7FFFFFFF, v10;
	v53 =	vand.u32 $0x7FFFFFFF, v45;
	v54 =	vmin.f32 v48, v50  }
0x1d0: {  	v32 =	vld.idx.msk [tilespmem:v25+s4+$0x0], $0xffff;
	v55 =	vand.u32 $0x7FFFFFFF, v47;
	v58 =	vand.u32 $0x7FFFFFFF, v49;
	v59 =	vand.u32 $0x7FFFFFFF, v51  }
0x1d1: {  	v38 =	vmax.f32 v9, v12;
	v39 =	vmin.f32 v9, v12;
	v41 =	vmax.f32 v13, v21  }
0x1d2: {  	v44 =	vld.idx.msk [tilespmem:v31+s4+$0x0], $0xffff;
	v42 =	vmin.f32 v13, v21;
	v62 =	vmax.f32 v53, v55;
	v63 =	vmax.f32 v58, v59  }
0x1d3: {  	v60 =	vmin.f32 v58, v59;
	v38 =	vmin.f32 v38, v41;
	v39 =	vmax.f32 v39, v42  }
0x1d4: {  	v41 =	vand.u32 $0x7FFFFFFF, v27;
	v42 =	vand.u32 $0x7FFFFFFF, v28;
	v38 =	vmax.f32 v38, v39  }
0x1d5: {  	v39 =	vand.u32 $0x7FFFFFFF, v32;
	v46 =	vmax.f32 v43, v41;
	vm0 =	vge.f32 v9, v38  }
0x1d6: {  	vm11 =	vge.f32 v12, v38;
	vm12 =	vge.f32 v13, v38;
	vm13 =	vge.f32 v21, v38  }
0x1d7: {  	v38 =	vand.u32 $0x7FFFFFFF, v44;
	v21 =	vmax.f32 v48, v50;
	v9 =	vnsel vm0, $0x0, v18  }
0x1d8: {  	v12 =	vnsel vm11, $0x0, v19;
	v13 =	vnsel vm12, $0x0, v15;
	v15 =	vmin.f32 v43, v41  }
0x1d9: {  	v18 =	vmax.f32 v42, v39;
	v19 =	vmin.f32 v42, v39;
	v56 =	vmax.f32 v52, v38  }
0x1da: {  	v57 =	vmin.f32 v52, v38;
	v18 =	vmin.f32 v46, v18;
	v15 =	vmax.f32 v15, v19  }
0x1db: {  	s1 =	simm.s32 $0x100;
	v19 =	vmin.f32 v53, v55;
	v21 =	vmin.f32 v21, v56;
	v54 =	vmax.f32 v54, v57  }
0x1dc: {  	s30 =	simm.s32 $0x0;
	s7 =	sand.u32 $0x700, s1;
	v15 =	vmax.f32 v18, v15;
	v18 =	vmin.f32 v62, v63;
	v19 =	vmax.f32 v19, v60  }
0x1dd: {  	s31 =	sor.u32 $0x80, s7;
	v61 =	vmax.f32 v21, v54;
	v46 =	vmax.f32 v18, v19;
	v18 =	vmov s30  }
0x1de: {  	v21 =	vmov s31;
	vm14 =	vge.f32 v43, v15;
	v18 =	vshll.u32 v18, $0x7  }
0x1df: {  	vm2 =	vge.f32 v41, v15;
	vm1 =	vge.f32 v42, v15;
	v18 =	vand.u32 $0x380, v18  }
0x1e0: {  	v19 =	vmov s7;
	v21 =	vshll.u32 v21, $0x3;
	v62 =	vbroadcast v18, $0x0  }
0x1e1: {  	[tilespmem:v14+s19+$0x0] =	vst.idx.msk $0xffff, v9;
	vm3 =	vge.f32 v39, v15;
	v19 =	vshll.u32 v19, $0x3;
	v14 =	vbroadcast v21, $0x0  }
0x1e2: {  	[tilespmem:v16+s19+$0x0] =	vst.idx.msk $0xffff, v12;
	v15 =	vbroadcast v19, $0x0;
	v9 =	vor.u32 v19, v18;
	v19 =	vor.u32 v4, v62  }
0x1e3: {  	[tilespmem:v17+s19+$0x0] =	vst.idx.msk $0xffff, v13;
	v13 =	vor.u32 v62, v14;
	v39 =	vor.u32 v14, v19  }
0x1e4: {  	v10 =	vnsel vm13, $0x0, v10;
	vm4 =	vge.f32 v48, v61;
	v41 =	vor.u32 v5, v13  }
0x1e5: {  	vm5 =	vge.f32 v50, v61;
	v9 =	vbroadcast v9, $0x0;
	v54 =	vor.u32 v6, v13  }
0x1e6: {  	vm6 =	vge.f32 v52, v61;
	[tilespmem:v11+s19+$0x0] =	vst.idx.msk $0xffff, v10;
	v56 =	vor.u32 v7, v13  }
0x1e7: {  	vm9 =	vge.f32 v55, v46;
	v12 =	vor.u32 v18, v21;
	v18 =	vor.u32 v0, v9  }
0x1e8: {  	v55 =	vnsel vm14, $0x0, v20;
	vm10 =	vge.f32 v59, v46;
	v17 =	vor.u32 v1, v9;
	v57 =	vld.idx.msk [tilespmem:v39+s4+$0x0], $0xffff  }
0x1e9: {  	v59 =	vnsel vm4, $0x0, v36;
	[tilespmem:v22+s19+$0x0] =	vst.idx.msk $0xffff, v55;
	v63 =	vbroadcast v12, $0x0;
	v16 =	vor.u32 v2, v9;
	v42 =	vld.idx.msk [tilespmem:v41+s4+$0x0], $0xffff  }
0x1ea: {  	v11 =	vor.u32 v62, v15;
	v12 =	vor.u32 v3, v9;
	v9 =	vor.u32 v15, v19;
	v48 =	vld.idx.msk [tilespmem:v54+s4+$0x0], $0xffff  }
0x1eb: {  	v27 =	vnsel vm2, $0x0, v27;
	[tilespmem:v26+s19+$0x0] =	vst.idx.msk $0xffff, v59;
	v13 =	vor.u32 v7, v11;
	v50 =	vld.idx.msk [tilespmem:v56+s4+$0x0], $0xffff  }
0x1ec: {  	v37 =	vnsel vm5, $0x0, v37;
	[tilespmem:v23+s19+$0x0] =	vst.idx.msk $0xffff, v27;
	v21 =	vor.u32 v2, v63;
	v20 =	vld.idx.msk [tilespmem:v18+s4+$0x0], $0xffff  }
0x1ed: {  	vm7 =	vge.f32 v38, v61;
	v28 =	vnsel vm1, $0x0, v28;
	[tilespmem:v29+s19+$0x0] =	vst.idx.msk $0xffff, v37;
	v22 =	vld.idx.msk [tilespmem:v17+s4+$0x0], $0xffff  }
0x1ee: {  	vm8 =	vge.f32 v53, v46;
	v32 =	vnsel vm3, $0x0, v32;
	[tilespmem:v24+s19+$0x0] =	vst.idx.msk $0xffff, v28;
	v23 =	vld.idx.msk [tilespmem:v16+s4+$0x0], $0xffff  }
0x1ef: {  	vm15 =	vge.f32 v58, v46;
	v40 =	vnsel vm6, $0x0, v40;
	[tilespmem:v25+s19+$0x0] =	vst.idx.msk $0xffff, v32;
	v25 =	vld.idx.msk [tilespmem:v9+s4+$0x0], $0xffff  }
0x1f0: {  	v46 =	vnsel vm7, $0x0, v44;
	v52 =	vnsel vm8, $0x0, v45;
	[tilespmem:v30+s19+$0x0] =	vst.idx.msk $0xffff, v40;
	v15 =	vor.u32 v5, v11;
	v28 =	vld.idx.msk [tilespmem:v13+s4+$0x0], $0xffff  }
0x1f1: {  	v53 =	vnsel vm9, $0x0, v47;
	v55 =	vnsel vm15, $0x0, v49;
	v36 =	vnsel vm10, $0x0, v51;
	[tilespmem:v31+s19+$0x0] =	vst.idx.msk $0xffff, v46;
	v31 =	vld.idx.msk [tilespmem:v21+s4+$0x0], $0xffff  }
0x1f2: {  	v10 =	vor.u32 v6, v11;
	v14 =	vor.u32 v0, v63;
	v11 =	vor.u32 v1, v63  }
0x1f3: {  	v19 =	vor.u32 v3, v63;
	v32 =	vand.u32 $0x7FFFFFFF, v57;
	v49 =	vand.u32 $0x7FFFFFFF, v42  }
0x1f4: {  	v24 =	vld.idx.msk [tilespmem:v12+s4+$0x0], $0xffff;
	v51 =	vand.u32 $0x7FFFFFFF, v48;
	v58 =	vand.u32 $0x7FFFFFFF, v50;
	v43 =	vand.u32 $0x7FFFFFFF, v20  }
0x1f5: {  	v26 =	vld.idx.msk [tilespmem:v15+s4+$0x0], $0xffff;
	v47 =	vand.u32 $0x7FFFFFFF, v22;
	v45 =	vand.u32 $0x7FFFFFFF, v23;
	v37 =	vand.u32 $0x7FFFFFFF, v25  }
0x1f6: {  	[tilespmem:v35+s19+$0x0] =	vst.idx.msk $0xffff, v52;
	v40 =	vand.u32 $0x7FFFFFFF, v28;
	v35 =	vand.u32 $0x7FFFFFFF, v31;
	v60 =	vmax.f32 v32, v49  }
0x1f7: {  	v61 =	vmin.f32 v32, v49;
	v62 =	vmax.f32 v51, v58;
	v63 =	vmin.f32 v51, v58  }
0x1f8: {  	v27 =	vld.idx.msk [tilespmem:v10+s4+$0x0], $0xffff;
	v46 =	vmin.f32 v43, v47;
	v38 =	vmin.f32 v60, v62;
	v44 =	vmax.f32 v61, v63  }
0x1f9: {  	v30 =	vld.idx.msk [tilespmem:v11+s4+$0x0], $0xffff;
	v60 =	vmax.f32 v43, v47;
	v59 =	vmax.f32 v38, v44;
	v44 =	vand.u32 $0x7FFFFFFF, v24  }
0x1fa: {  	v29 =	vld.idx.msk [tilespmem:v14+s4+$0x0], $0xffff;
	v38 =	vand.u32 $0x7FFFFFFF, v26;
	vm12 =	vge.f32 v32, v59;
	vm13 =	vge.f32 v49, v59  }
0x1fb: {  	[tilespmem:v34+s19+$0x0] =	vst.idx.msk $0xffff, v53;
	vm14 =	vge.f32 v51, v59;
	vm15 =	vge.f32 v58, v59;
	v32 =	vnsel vm12, $0x0, v57  }
0x1fc: {  	v61 =	vmin.f32 v37, v38;
	v49 =	vnsel vm13, $0x0, v42;
	v57 =	vnsel vm14, $0x0, v48;
	[tilespmem:v39+s19+$0x0] =	vst.idx.msk $0xffff, v32;
	v32 =	vld.idx.msk [tilespmem:v19+s4+$0x0], $0xffff  }
0x1fd: {  	[tilespmem:v33+s19+$0x0] =	vst.idx.msk $0xffff, v55;
	v59 =	vnsel vm15, $0x0, v50;
	v48 =	vmax.f32 v45, v44;
	v39 =	vand.u32 $0x7FFFFFFF, v27  }
0x1fe: {  	v42 =	vand.u32 $0x7FFFFFFF, v30;
	v53 =	vmin.f32 v60, v48;
	[tilespmem:v41+s19+$0x0] =	vst.idx.msk $0xffff, v49;
	v62 =	vmax.f32 v39, v40  }
0x1ff: {  	v41 =	vand.u32 $0x7FFFFFFF, v29;
	v63 =	vmin.f32 v39, v40;
	[tilespmem:v54+s19+$0x0] =	vst.idx.msk $0xffff, v57;
	v54 =	vmin.f32 v45, v44  }
0x200: {  	v50 =	vmax.f32 v41, v42;
	v49 =	vmin.f32 v41, v42;
	v52 =	vmax.f32 v61, v63  }
0x201: {  	[tilespmem:v56+s19+$0x0] =	vst.idx.msk $0xffff, v59;
	v56 =	vmax.f32 v37, v38;
	v54 =	vmax.f32 v46, v54;
	v34 =	vand.u32 $0x7FFFFFFF, v32  }
0x202: {  	v48 =	vmin.f32 v56, v62;
	v51 =	vmax.f32 v35, v34;
	v33 =	vmin.f32 v35, v34  }
.LBB2_15:
0x203: {  	s1 =	sadd.s32 $0x100, s1;
	v46 =	vmax.f32 v53, v54;
	v50 =	vmin.f32 v50, v51;
	v49 =	vmax.f32 v49, v33;
	v33 =	vmovc v21  }
0x204: {  	s0 =	sshrl.u32 s1, $0xB;
	vm0 =	vge.f32 v43, v46;
	v43 =	vmax.f32 v48, v52;
	v49 =	vmax.f32 v50, v49  }
0x205: {  	s7 =	sand.u32 $0x700, s1;
	vm1 =	vge.f32 v47, v46;
	vm2 =	vge.f32 v45, v46;
	v21 =	vmov s0;
	[tilespmem:v8+s19+$0x0] =	vst.idx.msk $0xffff, v36;
	v8 =	vmovc v19  }
0x206: {  	vm3 =	vge.f32 v44, v46;
	v19 =	vmov s7;
	s0 =	sor.u32 $0x80, s7;
	v21 =	vshll.u32 v21, $0x7  }
0x207: {  	v19 =	vshll.u32 v19, $0x3;
	v36 =	vmov s0;
	v21 =	vand.u32 $0x380, v21  }
0x208: {  	v36 =	vshll.u32 v36, $0x3;
	v44 =	vbroadcast v21, $0x0;
	v45 =	vor.u32 v19, v21  }
0x209: {  	p0 =	slt.u32 s1, $0x3F00;
	v19 =	vbroadcast v19, $0x0;
	v21 =	vor.u32 v21, v36;
	v36 =	vbroadcast v36, $0x0  }
0x20a: {  	v45 =	vbroadcast v45, $0x0;
	v47 =	vbroadcast v21, $0x0;
	v46 =	vor.u32 v4, v44  }
0x20b: {  	v21 =	vor.u32 v44, v19;
	v50 =	vor.u32 v36, v46;
	v36 =	vor.u32 v44, v36  }
0x20c: {  	v44 =	vor.u32 v0, v45;
	v51 =	vor.u32 v1, v45;
	v52 =	vor.u32 v5, v36  }
0x20d: {  	v53 =	vor.u32 v2, v45;
	v45 =	vor.u32 v3, v45;
	v54 =	vor.u32 v6, v36  }
0x20e: {  	v55 =	vor.u32 v19, v46;
	v56 =	vor.u32 v5, v21;
	v57 =	vor.u32 v7, v36  }
0x20f: {  	v58 =	vor.u32 v6, v21;
	v59 =	vor.u32 v7, v21;
	v48 =	vor.u32 v0, v47  }
0x210: {  	v46 =	vor.u32 v1, v47;
	v21 =	vor.u32 v2, v47;
	v19 =	vor.u32 v3, v47;
	v60 =	vld.idx.msk [tilespmem:v50+s4+$0x0], $0xffff  }
0x211: {  	vm4 =	vge.f32 v37, v43;
	vm5 =	vge.f32 v38, v43;
	vm6 =	vge.f32 v39, v43;
	v61 =	vld.idx.msk [tilespmem:v52+s4+$0x0], $0xffff  }
0x212: {  	vm7 =	vge.f32 v40, v43;
	vm8 =	vge.f32 v41, v49;
	vm9 =	vge.f32 v42, v49;
	v62 =	vld.idx.msk [tilespmem:v54+s4+$0x0], $0xffff  }
0x213: {  	vm10 =	vge.f32 v34, v49;
	v36 =	vnsel vm0, $0x0, v20;
	vm0 =	vge.f32 v35, v49;
	v41 =	vld.idx.msk [tilespmem:v57+s4+$0x0], $0xffff  }
0x214: {  	v34 =	vnsel vm1, $0x0, v22;
	v35 =	vnsel vm2, $0x0, v23;
	v20 =	vld.idx.msk [tilespmem:v44+s4+$0x0], $0xffff;
	[tilespmem:v18+s19+$0x0] =	vst.idx.msk $0xffff, v36;
	v36 =	vnsel vm3, $0x0, v24;
	v18 =	vmovc v44  }
0x215: {  	v37 =	vnsel vm5, $0x0, v26;
	v38 =	vnsel vm6, $0x0, v27;
	v22 =	vld.idx.msk [tilespmem:v51+s4+$0x0], $0xffff;
	[tilespmem:v17+s19+$0x0] =	vst.idx.msk $0xffff, v34;
	v34 =	vnsel vm4, $0x0, v25;
	v17 =	vmovc v51  }
0x216: {  	v49 =	vnsel vm8, $0x0, v29;
	v51 =	vnsel vm9, $0x0, v30;
	v23 =	vld.idx.msk [tilespmem:v53+s4+$0x0], $0xffff;
	[tilespmem:v16+s19+$0x0] =	vst.idx.msk $0xffff, v35;
	v35 =	vnsel vm7, $0x0, v28;
	v16 =	vmovc v53  }
0x217: {  	v53 =	vnsel vm0, $0x0, v31;
	v24 =	vld.idx.msk [tilespmem:v45+s4+$0x0], $0xffff;
	[tilespmem:v12+s19+$0x0] =	vst.idx.msk $0xffff, v36;
	v36 =	vnsel vm10, $0x0, v32;
	v12 =	vmov v45  }
0x218: {  	v31 =	vand.u32 $0x7FFFFFFF, v60;
	v32 =	vand.u32 $0x7FFFFFFF, v61;
	v25 =	vld.idx.msk [tilespmem:v55+s4+$0x0], $0xffff;
	[tilespmem:v9+s19+$0x0] =	vst.idx.msk $0xffff, v34;
	v9 =	vmov v55  }
0x219: {  	v34 =	vand.u32 $0x7FFFFFFF, v62;
	v40 =	vand.u32 $0x7FFFFFFF, v41;
	v29 =	vmax.f32 v31, v32;
	v26 =	vld.idx.msk [tilespmem:v56+s4+$0x0], $0xffff;
	[tilespmem:v15+s19+$0x0] =	vst.idx.msk $0xffff, v37  }
0x21a: {  	v39 =	vmin.f32 v31, v32;
	v30 =	vmax.f32 v34, v40;
	v37 =	vmin.f32 v34, v40;
	v27 =	vld.idx.msk [tilespmem:v58+s4+$0x0], $0xffff  }
0x21b: {  	v43 =	vand.u32 $0x7FFFFFFF, v20;
	v15 =	vmovc v56;
	v30 =	vmin.f32 v29, v30;
	v37 =	vmax.f32 v39, v37;
	v28 =	vld.idx.msk [tilespmem:v59+s4+$0x0], $0xffff  }
0x21c: {  	v47 =	vand.u32 $0x7FFFFFFF, v22;
	v45 =	vand.u32 $0x7FFFFFFF, v23;
	v42 =	vmax.f32 v30, v37;
	v29 =	vld.idx.msk [tilespmem:v48+s4+$0x0], $0xffff;
	[tilespmem:v10+s19+$0x0] =	vst.idx.msk $0xffff, v38  }
0x21d: {  	v55 =	vmax.f32 v43, v47;
	v44 =	vand.u32 $0x7FFFFFFF, v24;
	vm0 =	vge.f32 v31, v42;
	v10 =	vmovc v58;
	v30 =	vld.idx.msk [tilespmem:v46+s4+$0x0], $0xffff  }
0x21e: {  	v37 =	vand.u32 $0x7FFFFFFF, v25;
	v39 =	vnsel vm0, $0x0, v60;
	vm0 =	vge.f32 v32, v42;
	v31 =	vld.idx.msk [tilespmem:v21+s4+$0x0], $0xffff;
	[tilespmem:v13+s19+$0x0] =	vst.idx.msk $0xffff, v35  }
0x21f: {  	v38 =	vand.u32 $0x7FFFFFFF, v26;
	v35 =	vnsel vm0, $0x0, v61;
	vm0 =	vge.f32 v34, v42;
	v32 =	vld.idx.msk [tilespmem:v19+s4+$0x0], $0xffff;
	[tilespmem:v50+s19+$0x0] =	vst.idx.msk $0xffff, v39  }
0x220: {  	v13 =	vmovc v59;
	v39 =	vand.u32 $0x7FFFFFFF, v27;
	v34 =	vnsel vm0, $0x0, v62;
	vm0 =	vge.f32 v40, v42;
	[tilespmem:v52+s19+$0x0] =	vst.idx.msk $0xffff, v35  }
0x221: {  	v52 =	vmin.f32 v43, v47;
	v40 =	vand.u32 $0x7FFFFFFF, v28;
	[tilespmem:v54+s19+$0x0] =	vst.idx.msk $0xffff, v34;
	v34 =	vnsel vm0, $0x0, v41  }
0x222: {  	v56 =	vmin.f32 v45, v44;
	v54 =	vmax.f32 v45, v44;
	v41 =	vand.u32 $0x7FFFFFFF, v29;
	[tilespmem:v57+s19+$0x0] =	vst.idx.msk $0xffff, v34  }
.Ltmp8:
0x223: {  	v58 =	vmin.f32 v37, v38;
	v57 =	vmax.f32 v37, v38;
	v42 =	vand.u32 $0x7FFFFFFF, v30;
	[tilespmem:v14+s19+$0x0] =	vst.idx.msk $0xffff, v49;
	(pc) =	sbr.rel @p0 .LBB2_15-.Ltmp8, $4  }
0x224: {  	v59 =	vmax.f32 v39, v40;
	v60 =	vmin.f32 v39, v40;
	v35 =	vand.u32 $0x7FFFFFFF, v31;
	[tilespmem:v11+s19+$0x0] =	vst.idx.msk $0xffff, v51  }
0x225: {  	v50 =	vmax.f32 v41, v42;
	v49 =	vmin.f32 v41, v42;
	v34 =	vand.u32 $0x7FFFFFFF, v32;
	[tilespmem:v33+s19+$0x0] =	vst.idx.msk $0xffff, v53  }
0x226: {  	v14 =	vmovc v48;
	v53 =	vmin.f32 v55, v54;
	v51 =	vmax.f32 v35, v34;
	v33 =	vmin.f32 v35, v34  }
0x227: {  	v48 =	vmin.f32 v57, v59;
	v11 =	vmovc v46;
	v54 =	vmax.f32 v52, v56;
	v52 =	vmax.f32 v58, v60  }
0x228: {  	_ =	sdelay $0x1  }
0x229: {  	v46 =	vmax.f32 v53, v54  }
0x22a: {  	v54 =	vmax.f32 v48, v52;
	vm0 =	vge.f32 v43, v46  }
0x22b: {  	[tilespmem:v8+s19+$0x0] =	vst.idx.msk $0xffff, v36;
	vm8 =	vge.f32 v37, v54;
	v8 =	vnsel vm0, $0x0, v20  }
0x22c: {  	vm1 =	vge.f32 v47, v46;
	v57 =	vnsel vm8, $0x0, v25;
	[tilespmem:v18+s19+$0x0] =	vst.idx.msk $0xffff, v8  }
0x22d: {  	vm6 =	vge.f32 v45, v46;
	v8 =	vnsel vm1, $0x0, v22;
	[tilespmem:v9+s19+$0x0] =	vst.idx.msk $0xffff, v57  }
0x22e: {  	vm7 =	vge.f32 v44, v46;
	v55 =	vnsel vm6, $0x0, v23;
	[tilespmem:v17+s19+$0x0] =	vst.idx.msk $0xffff, v8  }
0x22f: {  	v56 =	vmin.f32 v50, v51;
	vm9 =	vge.f32 v38, v54;
	v8 =	vnsel vm7, $0x0, v24;
	[tilespmem:v16+s19+$0x0] =	vst.idx.msk $0xffff, v55  }
0x230: {  	vm10 =	vge.f32 v39, v54;
	v58 =	vnsel vm9, $0x0, v26;
	[tilespmem:v12+s19+$0x0] =	vst.idx.msk $0xffff, v8;
	v8 =	vmax.f32 v49, v33  }
0x231: {  	vm11 =	vge.f32 v40, v54;
	v59 =	vnsel vm10, $0x0, v27;
	[tilespmem:v15+s19+$0x0] =	vst.idx.msk $0xffff, v58;
	v8 =	vmax.f32 v56, v8  }
0x232: {  	v60 =	vnsel vm11, $0x0, v28;
	[tilespmem:v10+s19+$0x0] =	vst.idx.msk $0xffff, v59;
	vm12 =	vge.f32 v41, v8  }
0x233: {  	[tilespmem:v13+s19+$0x0] =	vst.idx.msk $0xffff, v60;
	vm13 =	vge.f32 v42, v8;
	v61 =	vnsel vm12, $0x0, v29  }
0x234: {  	vm14 =	vge.f32 v35, v8;
	v62 =	vnsel vm13, $0x0, v30;
	[tilespmem:v14+s19+$0x0] =	vst.idx.msk $0xffff, v61  }
0x235: {  	vm15 =	vge.f32 v34, v8;
	v8 =	vnsel vm14, $0x0, v31;
	[tilespmem:v11+s19+$0x0] =	vst.idx.msk $0xffff, v62  }
0x236: {  	v63 =	vnsel vm15, $0x0, v32;
	[tilespmem:v21+s19+$0x0] =	vst.idx.msk $0xffff, v8  }
0x237: {  	[tilespmem:v19+s19+$0x0] =	vst.idx.msk $0xffff, v63  }
0x238: {  	[hbm4b:s14+s4] =	stream.linear.scatter [tilespmem:s19], [sflag:$0x4], $0x4000, $0x38;
	[tilespmem:$0x18000] =	vst v63  }
0x239: {  	_ =	swait.ge [sflag:s25], $0x4000  }
0x23a: {  	[sflag:s25] =	ssyncset.done $0x0  }
0x23b: {  	s28 =	sadd.s32 $0x1, s28;
	[sflag:s25] =	ssyncadd.s32 $0xFFFFC000  }
0x23c: {  	p0 =	sne.s32 s28, s15;
	_ =	swait.ge [sflag:s26], $0x4000  }
.Ltmp9:
0x23d: {  	[sflag:s26] =	ssyncset.done $0x0;
	(pc) =	sbr.rel @p0 .LBB2_1-.Ltmp9, $4  }
0x23e: {  	[sflag:s26] =	ssyncadd.s32 $0xFFFFC000  }
0x23f: {  	_ =	swait.ge [sflag:s23], $0x4000  }
0x240: {  	[sflag:s23] =	ssyncset.done $0x0  }
0x241: {  	[sflag:s23] =	ssyncadd.s32 $0xFFFFC000  }
0x242: {  	_ =	sfence.sel $0x180000  }
0x243: {  	[bflag:$0x0] =	sbarrier.arrive $0xFFFF  }
0x244: {  	_ =	strace $0x90000047  }
0x245: {  	s0 =	stileid.u32;
	[bflag:$0x2] =	sbarrier.arrive $0xFFFF  }
0x246: {  	p0 =	sne.s32 s0, $0x0;
	s0 =	rddreg [dreg:$0x2]  }
0x247: {  	s0 =	sadd.s32 @!p0 $0x100000, s0  }
0x248: {  	[sflag:s0] =	ssyncadd.tile.s32 @!p0 $0x1;
	_ =	shalt  }
.Lfunc_end2:
_tile_overlayer_lowered:
.L_overlay_start_2:
0x249: {  	(tag) =	ssettag $0x2  }
0x24a: {  	s0 =	rddreg [dreg:$0x0];
	s2 =	stileid.u32  }
0x24b: {  	s1 =	rddreg [dreg:$0x1];
	p0 =	sne.s32 s2, $0x0  }
0x24c: {  	s3 =	rddreg [dreg:$0x2];
	[bflag:$0x3] =	sbarrier.arrive $0xFFFF;
	s2 =	simm.s32 @!p0 $0x1C07  }
0x24d: {  	[timem:s3], [sflag:s2] =	dma.local @!p0 [hbm:s0], s1  }
0x24e: {  	s0 =	simm.s32 @!p0 $0x7  }
0x24f: {  	_ =	swait.ge @!p0 [sflag:s0], s1  }
0x250: {  	s1 =	ssub.s32 @!p0 $0x0, s1;
	[sflag:s0] =	ssyncset.done @!p0 $0x0  }
0x251: {  	[sflag:s0] =	ssyncadd.s32 @!p0 s1  }
0x252: {  	[bflag:$0x3] =	sbarrier.arrive $0xFFFF  }
0x253: {  	_ =	shalt  }

</sc_bundles>
